<compile_context>
chip_gen: v7x
topology: tpu7x:2x2x1
jax: 0.10.2.dev20260603
libtpu: 0.0.44.dev20260713+nightly
codegen_flags: <defaults>
</compile_context>

<pallas_src>
import functools

import jax
import jax.numpy as jnp
from jax import lax
from jax.experimental import pallas as pl
from jax.experimental.pallas import tpu as pltpu
from jax.experimental.pallas import tpu_sc as plsc

_NW = 32
_NB = 16


def kernel(c, table):
    B, = c.shape
    K, D2 = table.shape
    D = D2 // 2
    bpw = B // _NW

    c2 = c.reshape(_NW, bpw).astype(jnp.int32)
    mesh = plsc.VectorSubcoreMesh(core_axis_name="core", subcore_axis_name="sub")

    @functools.partial(
        pl.kernel,
        mesh=mesh,
        compiler_params=pltpu.CompilerParams(needs_layout_passes=False),
        out_type=(
            jax.ShapeDtypeStruct((D, B), jnp.float32),
            jax.ShapeDtypeStruct((D, B), jnp.float32),
        ),
        scratch_types=[
            pltpu.VMEM((1, bpw), jnp.int32),
            pltpu.VMEM((_NB, 8, D2), jnp.float32),
            pltpu.VMEM((D2, bpw), jnp.float32),
            pltpu.SemaphoreType.DMA,
        ],
    )
    def _gather_split(idx_hbm, tv_hbm, mu_hbm, lv_hbm, idx_v, blk_v, stage_v, sem):
        wid = lax.axis_index("sub") * 2 + lax.axis_index("core")
        pltpu.sync_copy(idx_hbm.at[pl.ds(wid, 1)], idx_v)
        zeros = jnp.zeros((16,), jnp.int32)
        ar16 = jnp.arange(16, dtype=jnp.int32)

        def batch(bi, _):
            vec = idx_v[0, pl.ds(bi * _NB, _NB)]
            blks = vec >> 3
            for lane in range(_NB):
                pltpu.async_copy(
                    tv_hbm.at[pl.ds(blks[lane] * 8, 8)], blk_v.at[lane], sem)
            for lane in range(_NB):
                pltpu.make_async_copy(
                    tv_hbm.at[pl.ds(0, 8)], blk_v.at[lane], sem).wait()
            for lane in range(_NB):
                e = vec[lane] & 7
                ii = bi * _NB + lane
                for g in range(D2 // 16):
                    vals = blk_v[lane, e, pl.ds(g * 16, 16)]
                    d = g * 16 + ar16
                    plsc.store_scatter(stage_v, [d, zeros + ii], vals)
            return ()

        lax.fori_loop(0, bpw // _NB, batch, ())
        pltpu.sync_copy(stage_v.at[pl.ds(0, D)],
                        mu_hbm.at[:, pl.ds(wid * bpw, bpw)])
        pltpu.sync_copy(stage_v.at[pl.ds(D, D)],
                        lv_hbm.at[:, pl.ds(wid * bpw, bpw)])

    mu, lv = _gather_split(c2, table)
    return mu.T, lv.T

# --- scband reference (transcript-rebuilt; emitter-appended) ---
"""Pipeline reference for scband-mixture-prior-embedding-46875273068562 (READ-ONLY COPY).

The authoritative reference and input builder live on the scoring server;
editing this copy changes nothing except your own understanding.
"""

import jax, jax.numpy as jnp
import numpy as np

K = 1000000
D = 32
BATCH = 16384

def setup_inputs(seed: int = 0) -> dict:
    key = jax.random.key(seed)
    k1, k2 = jax.random.split(key)
    c = jax.random.randint(k1, (BATCH,), 0, K, dtype=jnp.int64 if jax.config.jax_enable_x64 else jnp.int32)
    # nn.Embed parameter: [num_embeddings, features] = [K, 2*d]
    table = jax.random.normal(k2, (K, 2 * D), dtype=jnp.float32) * 0.01
    return {"c": c, "table": table}

def reference(c, table):
    # nn.Embed(num_embeddings=K, features=2*d)(c) -> gather rows
    x = jnp.take(table, c, axis=0)
    # jnp.split(x, 2, -1) -> (mu, logvar), each [BATCH, d]
    mu, logvar = jnp.split(x, 2, axis=-1)
    return (mu, logvar)

if __name__ == "__main__":
    import jax
    _d = setup_inputs()
    print(jax.jit(kernel)(*tuple(_d.values())))

</pallas_src>

<mosaic_0001>
#map = affine_map<(d0, d1) -> (0, 0)>
module attributes {stable_mosaic.version = 14 : i64} {
  func.func @_gather_split(%arg0: i32, %arg1: i32, %arg2: memref<32x512xi32, #tpu.memory_space<hbm>>, %arg3: memref<1000000x64xf32, #tpu.memory_space<hbm>>, %arg4: memref<32x16384xf32, #tpu.memory_space<hbm>>, %arg5: memref<32x16384xf32, #tpu.memory_space<hbm>>, %arg6: memref<1x512xi32, #tpu.memory_space<vmem>>, %arg7: memref<16x8x64xf32, #tpu.memory_space<vmem>>, %arg8: memref<64x512xf32, #tpu.memory_space<vmem>>, %arg9: memref<!tpu.dma_semaphore, #tpu.memory_space<semaphore_mem>>) attributes {dimension_semantics = [#tpu.dimension_semantics<core_parallel>, #tpu.dimension_semantics<subcore_parallel>], iteration_bounds = array<i64: 2, 16>, scalar_prefetch = 0 : i64, scratch_operands = 4 : i64, tpu.core_type = #tpu.core_type<sc_vector_subcore>, window_params = [{transform_indices = #map}, {transform_indices = #map}, {transform_indices = #map}, {transform_indices = #map}]} {
    %mul3A = arith.constant 2 : i32
    %mul3A_0 = arith.muli %arg1, %mul3A : i32
    %add3A = arith.addi %mul3A_0, %arg0 : i32
    "tpu.region"() ({
      %run_scoped3A = tpu.sem_alloc : memref<!tpu.dma_semaphore, #tpu.memory_space<semaphore_mem>>
      %dma_start3A = arith.constant 0 : i32
      %dma_start3A_10 = tpu.memref_slice %arg2[%add3A, %dma_start3A] : memref<32x512xi32, #tpu.memory_space<hbm>> -> memref<1x512xi32, #tpu.memory_space<hbm>>
      %dma_start3A_11 = arith.constant 0 : i32
      %dma_start3A_12 = tpu.memref_slice %arg2[%add3A, %dma_start3A_11] : memref<32x512xi32, #tpu.memory_space<hbm>> -> memref<1x512xi32, #tpu.memory_space<hbm>>
      tpu.enqueue_dma source(%dma_start3A_12 : memref<1x512xi32, #tpu.memory_space<hbm>>) target(%arg6 : memref<1x512xi32, #tpu.memory_space<vmem>>) target_semaphore(%run_scoped3A : memref<!tpu.dma_semaphore, #tpu.memory_space<semaphore_mem>>)
      %dma_wait3A = arith.constant 0 : i32
      %dma_wait3A_13 = tpu.memref_slice %arg2[%add3A, %dma_wait3A] : memref<32x512xi32, #tpu.memory_space<hbm>> -> memref<1x512xi32, #tpu.memory_space<hbm>>
      %dma_wait3A_14 = arith.constant 0 : i32
      %dma_wait3A_15 = tpu.memref_slice %arg2[%add3A, %dma_wait3A_14] : memref<32x512xi32, #tpu.memory_space<hbm>> -> memref<1x512xi32, #tpu.memory_space<hbm>>
      tpu.wait_dma2 semaphore(%run_scoped3A : memref<!tpu.dma_semaphore, #tpu.memory_space<semaphore_mem>>) src(%dma_wait3A_15 : memref<1x512xi32, #tpu.memory_space<hbm>>) dst(%arg6 : memref<1x512xi32, #tpu.memory_space<vmem>>)
      tpu.yield
    }) : () -> ()
    %broadcast_in_dim3A = arith.constant 0 : i32
    %broadcast_in_dim3A_1 = vector.broadcast %broadcast_in_dim3A : i32 to vector<16xi32>
    %iota3A = tpu.iota {dimensions = array<i32: 0>} : vector<16xi32>
    %scan3A = arith.constant 0 : i32
    %scan3A_2 = arith.constant 32 : i32
    %scan3A_3 = arith.addi %scan3A, %scan3A_2 : i32
    %scan3A_4 = arith.constant 1 : i32
    scf.for %scan3A_10 = %scan3A to %scan3A_3 step %scan3A_4  : i32 {
      %mul3A_11 = arith.constant 16 : i32
      %mul3A_12 = arith.muli %scan3A_10, %mul3A_11 : i32
      %get3A = arith.constant 0 : i32
      %get3A_13 = arith.index_cast %get3A : i32 to index
      %get3A_14 = arith.index_cast %mul3A_12 : i32 to index
      %get3A_15 = tpu.vector_load %arg6[%get3A_13, %get3A_14] {strides = array<i32>} : memref<1x512xi32, #tpu.memory_space<vmem>>, vector<16xi32>,
      %shift_right_arithmetic3A = arith.constant 3 : i32
      %shift_right_arithmetic3A_16 = vector.broadcast %shift_right_arithmetic3A : i32 to vector<16xi32>
      %shift_right_arithmetic3A_17 = arith.shrsi %get3A_15, %shift_right_arithmetic3A_16 : vector<16xi32>
      %slice3A = vector.extract_strided_slice %shift_right_arithmetic3A_17 {offsets = [0], sizes = [1], strides = [1]} : vector<16xi32> to vector<1xi32>
      %squeeze3A = vector.extract %slice3A[0] : i32 from vector<1xi32>
      %mul3A_18 = arith.constant 8 : i32
      %mul3A_19 = arith.muli %squeeze3A, %mul3A_18 : i32
      %dma_start3A = arith.constant 0 : i32
      %dma_start3A_20 = arith.constant 0 : i32
      %dma_start3A_21 = arith.constant 0 : i32
      %dma_start3A_22 = tpu.memref_slice %arg7[%dma_start3A, %dma_start3A_20, %dma_start3A_21] : memref<16x8x64xf32, #tpu.memory_space<vmem>> -> memref<1x8x64xf32, #tpu.memory_space<vmem>>
      %dma_start3A_23 = tpu.memref_squeeze %dma_start3A_22 : memref<1x8x64xf32, #tpu.memory_space<vmem>> -> memref<8x64xf32, #tpu.memory_space<vmem>>
      %dma_start3A_24 = arith.constant 0 : i32
      %dma_start3A_25 = tpu.memref_slice %arg3[%mul3A_19, %dma_start3A_24] : memref<1000000x64xf32, #tpu.memory_space<hbm>> -> memref<8x64xf32, #tpu.memory_space<hbm>>
      %dma_start3A_26 = arith.constant 0 : i32
      %dma_start3A_27 = arith.constant 0 : i32
      %dma_start3A_28 = tpu.memref_slice %arg7[%dma_start3A, %dma_start3A_26, %dma_start3A_27] : memref<16x8x64xf32, #tpu.memory_space<vmem>> -> memref<1x8x64xf32, #tpu.memory_space<vmem>>
      %dma_start3A_29 = tpu.memref_squeeze %dma_start3A_28 : memref<1x8x64xf32, #tpu.memory_space<vmem>> -> memref<8x64xf32, #tpu.memory_space<vmem>>
      %dma_start3A_30 = arith.constant 0 : i32
      %dma_start3A_31 = tpu.memref_slice %arg3[%mul3A_19, %dma_start3A_30] : memref<1000000x64xf32, #tpu.memory_space<hbm>> -> memref<8x64xf32, #tpu.memory_space<hbm>>
      tpu.enqueue_dma source(%dma_start3A_31 : memref<8x64xf32, #tpu.memory_space<hbm>>) target(%dma_start3A_29 : memref<8x64xf32, #tpu.memory_space<vmem>>) target_semaphore(%arg9 : memref<!tpu.dma_semaphore, #tpu.memory_space<semaphore_mem>>)
      %slice3A_32 = vector.extract_strided_slice %shift_right_arithmetic3A_17 {offsets = [1], sizes = [1], strides = [1]} : vector<16xi32> to vector<1xi32>
      %squeeze3A_33 = vector.extract %slice3A_32[0] : i32 from vector<1xi32>
      %mul3A_34 = arith.constant 8 : i32
      %mul3A_35 = arith.muli %squeeze3A_33, %mul3A_34 : i32
      %dma_start3A_36 = arith.constant 1 : i32
      %dma_start3A_37 = arith.constant 0 : i32
      %dma_start3A_38 = arith.constant 0 : i32
      %dma_start3A_39 = tpu.memref_slice %arg7[%dma_start3A_36, %dma_start3A_37, %dma_start3A_38] : memref<16x8x64xf32, #tpu.memory_space<vmem>> -> memref<1x8x64xf32, #tpu.memory_space<vmem>>
      %dma_start3A_40 = tpu.memref_squeeze %dma_start3A_39 : memref<1x8x64xf32, #tpu.memory_space<vmem>> -> memref<8x64xf32, #tpu.memory_space<vmem>>
      %dma_start3A_41 = arith.constant 0 : i32
      %dma_start3A_42 = tpu.memref_slice %arg3[%mul3A_35, %dma_start3A_41] : memref<1000000x64xf32, #tpu.memory_space<hbm>> -> memref<8x64xf32, #tpu.memory_space<hbm>>
      %dma_start3A_43 = arith.constant 0 : i32
      %dma_start3A_44 = arith.constant 0 : i32
      %dma_start3A_45 = tpu.memref_slice %arg7[%dma_start3A_36, %dma_start3A_43, %dma_start3A_44] : memref<16x8x64xf32, #tpu.memory_space<vmem>> -> memref<1x8x64xf32, #tpu.memory_space<vmem>>
      %dma_start3A_46 = tpu.memref_squeeze %dma_start3A_45 : memref<1x8x64xf32, #tpu.memory_space<vmem>> -> memref<8x64xf32, #tpu.memory_space<vmem>>
      %dma_start3A_47 = arith.constant 0 : i32
      %dma_start3A_48 = tpu.memref_slice %arg3[%mul3A_35, %dma_start3A_47] : memref<1000000x64xf32, #tpu.memory_space<hbm>> -> memref<8x64xf32, #tpu.memory_space<hbm>>
      tpu.enqueue_dma source(%dma_start3A_48 : memref<8x64xf32, #tpu.memory_space<hbm>>) target(%dma_start3A_46 : memref<8x64xf32, #tpu.memory_space<vmem>>) target_semaphore(%arg9 : memref<!tpu.dma_semaphore, #tpu.memory_space<semaphore_mem>>)
      %slice3A_49 = vector.extract_strided_slice %shift_right_arithmetic3A_17 {offsets = [2], sizes = [1], strides = [1]} : vector<16xi32> to vector<1xi32>
      %squeeze3A_50 = vector.extract %slice3A_49[0] : i32 from vector<1xi32>
      %mul3A_51 = arith.constant 8 : i32
      %mul3A_52 = arith.muli %squeeze3A_50, %mul3A_51 : i32
      %dma_start3A_53 = arith.constant 2 : i32
      %dma_start3A_54 = arith.constant 0 : i32
      %dma_start3A_55 = arith.constant 0 : i32
      %dma_start3A_56 = tpu.memref_slice %arg7[%dma_start3A_53, %dma_start3A_54, %dma_start3A_55] : memref<16x8x64xf32, #tpu.memory_space<vmem>> -> memref<1x8x64xf32, #tpu.memory_space<vmem>>
      %dma_start3A_57 = tpu.memref_squeeze %dma_start3A_56 : memref<1x8x64xf32, #tpu.memory_space<vmem>> -> memref<8x64xf32, #tpu.memory_space<vmem>>
      %dma_start3A_58 = arith.constant 0 : i32
      %dma_start3A_59 = tpu.memref_slice %arg3[%mul3A_52, %dma_start3A_58] : memref<1000000x64xf32, #tpu.memory_space<hbm>> -> memref<8x64xf32, #tpu.memory_space<hbm>>
      %dma_start3A_60 = arith.constant 0 : i32
      %dma_start3A_61 = arith.constant 0 : i32
      %dma_start3A_62 = tpu.memref_slice %arg7[%dma_start3A_53, %dma_start3A_60, %dma_start3A_61] : memref<16x8x64xf32, #tpu.memory_space<vmem>> -> memref<1x8x64xf32, #tpu.memory_space<vmem>>
      %dma_start3A_63 = tpu.memref_squeeze %dma_start3A_62 : memref<1x8x64xf32, #tpu.memory_space<vmem>> -> memref<8x64xf32, #tpu.memory_space<vmem>>
      %dma_start3A_64 = arith.constant 0 : i32
      %dma_start3A_65 = tpu.memref_slice %arg3[%mul3A_52, %dma_start3A_64] : memref<1000000x64xf32, #tpu.memory_space<hbm>> -> memref<8x64xf32, #tpu.memory_space<hbm>>
      tpu.enqueue_dma source(%dma_start3A_65 : memref<8x64xf32, #tpu.memory_space<hbm>>) target(%dma_start3A_63 : memref<8x64xf32, #tpu.memory_space<vmem>>) target_semaphore(%arg9 : memref<!tpu.dma_semaphore, #tpu.memory_space<semaphore_mem>>)
      %slice3A_66 = vector.extract_strided_slice %shift_right_arithmetic3A_17 {offsets = [3], sizes = [1], strides = [1]} : vector<16xi32> to vector<1xi32>
      %squeeze3A_67 = vector.extract %slice3A_66[0] : i32 from vector<1xi32>
      %mul3A_68 = arith.constant 8 : i32
      %mul3A_69 = arith.muli %squeeze3A_67, %mul3A_68 : i32
      %dma_start3A_70 = arith.constant 3 : i32
      %dma_start3A_71 = arith.constant 0 : i32
      %dma_start3A_72 = arith.constant 0 : i32
      %dma_start3A_73 = tpu.memref_slice %arg7[%dma_start3A_70, %dma_start3A_71, %dma_start3A_72] : memref<16x8x64xf32, #tpu.memory_space<vmem>> -> memref<1x8x64xf32, #tpu.memory_space<vmem>>
      %dma_start3A_74 = tpu.memref_squeeze %dma_start3A_73 : memref<1x8x64xf32, #tpu.memory_space<vmem>> -> memref<8x64xf32, #tpu.memory_space<vmem>>
      %dma_start3A_75 = arith.constant 0 : i32
      %dma_start3A_76 = tpu.memref_slice %arg3[%mul3A_69, %dma_start3A_75] : memref<1000000x64xf32, #tpu.memory_space<hbm>> -> memref<8x64xf32, #tpu.memory_space<hbm>>
      %dma_start3A_77 = arith.constant 0 : i32
      %dma_start3A_78 = arith.constant 0 : i32
      %dma_start3A_79 = tpu.memref_slice %arg7[%dma_start3A_70, %dma_start3A_77, %dma_start3A_78] : memref<16x8x64xf32, #tpu.memory_space<vmem>> -> memref<1x8x64xf32, #tpu.memory_space<vmem>>
      %dma_start3A_80 = tpu.memref_squeeze %dma_start3A_79 : memref<1x8x64xf32, #tpu.memory_space<vmem>> -> memref<8x64xf32, #tpu.memory_space<vmem>>
      %dma_start3A_81 = arith.constant 0 : i32
      %dma_start3A_82 = tpu.memref_slice %arg3[%mul3A_69, %dma_start3A_81] : memref<1000000x64xf32, #tpu.memory_space<hbm>> -> memref<8x64xf32, #tpu.memory_space<hbm>>
      tpu.enqueue_dma source(%dma_start3A_82 : memref<8x64xf32, #tpu.memory_space<hbm>>) target(%dma_start3A_80 : memref<8x64xf32, #tpu.memory_space<vmem>>) target_semaphore(%arg9 : memref<!tpu.dma_semaphore, #tpu.memory_space<semaphore_mem>>)
      %slice3A_83 = vector.extract_strided_slice %shift_right_arithmetic3A_17 {offsets = [4], sizes = [1], strides = [1]} : vector<16xi32> to vector<1xi32>
      %squeeze3A_84 = vector.extract %slice3A_83[0] : i32 from vector<1xi32>
      %mul3A_85 = arith.constant 8 : i32
      %mul3A_86 = arith.muli %squeeze3A_84, %mul3A_85 : i32
      %dma_start3A_87 = arith.constant 4 : i32
      %dma_start3A_88 = arith.constant 0 : i32
      %dma_start3A_89 = arith.constant 0 : i32
      %dma_start3A_90 = tpu.memref_slice %arg7[%dma_start3A_87, %dma_start3A_88, %dma_start3A_89] : memref<16x8x64xf32, #tpu.memory_space<vmem>> -> memref<1x8x64xf32, #tpu.memory_space<vmem>>
      %dma_start3A_91 = tpu.memref_squeeze %dma_start3A_90 : memref<1x8x64xf32, #tpu.memory_space<vmem>> -> memref<8x64xf32, #tpu.memory_space<vmem>>
      %dma_start3A_92 = arith.constant 0 : i32
      %dma_start3A_93 = tpu.memref_slice %arg3[%mul3A_86, %dma_start3A_92] : memref<1000000x64xf32, #tpu.memory_space<hbm>> -> memref<8x64xf32, #tpu.memory_space<hbm>>
      %dma_start3A_94 = arith.constant 0 : i32
      %dma_start3A_95 = arith.constant 0 : i32
      %dma_start3A_96 = tpu.memref_slice %arg7[%dma_start3A_87, %dma_start3A_94, %dma_start3A_95] : memref<16x8x64xf32, #tpu.memory_space<vmem>> -> memref<1x8x64xf32, #tpu.memory_space<vmem>>
      %dma_start3A_97 = tpu.memref_squeeze %dma_start3A_96 : memref<1x8x64xf32, #tpu.memory_space<vmem>> -> memref<8x64xf32, #tpu.memory_space<vmem>>
      %dma_start3A_98 = arith.constant 0 : i32
      %dma_start3A_99 = tpu.memref_slice %arg3[%mul3A_86, %dma_start3A_98] : memref<1000000x64xf32, #tpu.memory_space<hbm>> -> memref<8x64xf32, #tpu.memory_space<hbm>>
      tpu.enqueue_dma source(%dma_start3A_99 : memref<8x64xf32, #tpu.memory_space<hbm>>) target(%dma_start3A_97 : memref<8x64xf32, #tpu.memory_space<vmem>>) target_semaphore(%arg9 : memref<!tpu.dma_semaphore, #tpu.memory_space<semaphore_mem>>)
      %slice3A_100 = vector.extract_strided_slice %shift_right_arithmetic3A_17 {offsets = [5], sizes = [1], strides = [1]} : vector<16xi32> to vector<1xi32>
      %squeeze3A_101 = vector.extract %slice3A_100[0] : i32 from vector<1xi32>
      %mul3A_102 = arith.constant 8 : i32
      %mul3A_103 = arith.muli %squeeze3A_101, %mul3A_102 : i32
      %dma_start3A_104 = arith.constant 5 : i32
      %dma_start3A_105 = arith.constant 0 : i32
      %dma_start3A_106 = arith.constant 0 : i32
      %dma_start3A_107 = tpu.memref_slice %arg7[%dma_start3A_104, %dma_start3A_105, %dma_start3A_106] : memref<16x8x64xf32, #tpu.memory_space<vmem>> -> memref<1x8x64xf32, #tpu.memory_space<vmem>>
      %dma_start3A_108 = tpu.memref_squeeze %dma_start3A_107 : memref<1x8x64xf32, #tpu.memory_space<vmem>> -> memref<8x64xf32, #tpu.memory_space<vmem>>
      %dma_start3A_109 = arith.constant 0 : i32
      %dma_start3A_110 = tpu.memref_slice %arg3[%mul3A_103, %dma_start3A_109] : memref<1000000x64xf32, #tpu.memory_space<hbm>> -> memref<8x64xf32, #tpu.memory_space<hbm>>
      %dma_start3A_111 = arith.constant 0 : i32
      %dma_start3A_112 = arith.constant 0 : i32
      %dma_start3A_113 = tpu.memref_slice %arg7[%dma_start3A_104, %dma_start3A_111, %dma_start3A_112] : memref<16x8x64xf32, #tpu.memory_space<vmem>> -> memref<1x8x64xf32, #tpu.memory_space<vmem>>
      %dma_start3A_114 = tpu.memref_squeeze %dma_start3A_113 : memref<1x8x64xf32, #tpu.memory_space<vmem>> -> memref<8x64xf32, #tpu.memory_space<vmem>>
      %dma_start3A_115 = arith.constant 0 : i32
      %dma_start3A_116 = tpu.memref_slice %arg3[%mul3A_103, %dma_start3A_115] : memref<1000000x64xf32, #tpu.memory_space<hbm>> -> memref<8x64xf32, #tpu.memory_space<hbm>>
      tpu.enqueue_dma source(%dma_start3A_116 : memref<8x64xf32, #tpu.memory_space<hbm>>) target(%dma_start3A_114 : memref<8x64xf32, #tpu.memory_space<vmem>>) target_semaphore(%arg9 : memref<!tpu.dma_semaphore, #tpu.memory_space<semaphore_mem>>)
      %slice3A_117 = vector.extract_strided_slice %shift_right_arithmetic3A_17 {offsets = [6], sizes = [1], strides = [1]} : vector<16xi32> to vector<1xi32>
      %squeeze3A_118 = vector.extract %slice3A_117[0] : i32 from vector<1xi32>
      %mul3A_119 = arith.constant 8 : i32
      %mul3A_120 = arith.muli %squeeze3A_118, %mul3A_119 : i32
      %dma_start3A_121 = arith.constant 6 : i32
      %dma_start3A_122 = arith.constant 0 : i32
      %dma_start3A_123 = arith.constant 0 : i32
      %dma_start3A_124 = tpu.memref_slice %arg7[%dma_start3A_121, %dma_start3A_122, %dma_start3A_123] : memref<16x8x64xf32, #tpu.memory_space<vmem>> -> memref<1x8x64xf32, #tpu.memory_space<vmem>>
      %dma_start3A_125 = tpu.memref_squeeze %dma_start3A_124 : memref<1x8x64xf32, #tpu.memory_space<vmem>> -> memref<8x64xf32, #tpu.memory_space<vmem>>
      %dma_start3A_126 = arith.constant 0 : i32
      %dma_start3A_127 = tpu.memref_slice %arg3[%mul3A_120, %dma_start3A_126] : memref<1000000x64xf32, #tpu.memory_space<hbm>> -> memref<8x64xf32, #tpu.memory_space<hbm>>
      %dma_start3A_128 = arith.constant 0 : i32
      %dma_start3A_129 = arith.constant 0 : i32
      %dma_start3A_130 = tpu.memref_slice %arg7[%dma_start3A_121, %dma_start3A_128, %dma_start3A_129] : memref<16x8x64xf32, #tpu.memory_space<vmem>> -> memref<1x8x64xf32, #tpu.memory_space<vmem>>
      %dma_start3A_131 = tpu.memref_squeeze %dma_start3A_130 : memref<1x8x64xf32, #tpu.memory_space<vmem>> -> memref<8x64xf32, #tpu.memory_space<vmem>>
      %dma_start3A_132 = arith.constant 0 : i32
      %dma_start3A_133 = tpu.memref_slice %arg3[%mul3A_120, %dma_start3A_132] : memref<1000000x64xf32, #tpu.memory_space<hbm>> -> memref<8x64xf32, #tpu.memory_space<hbm>>
      tpu.enqueue_dma source(%dma_start3A_133 : memref<8x64xf32, #tpu.memory_space<hbm>>) target(%dma_start3A_131 : memref<8x64xf32, #tpu.memory_space<vmem>>) target_semaphore(%arg9 : memref<!tpu.dma_semaphore, #tpu.memory_space<semaphore_mem>>)
      %slice3A_134 = vector.extract_strided_slice %shift_right_arithmetic3A_17 {offsets = [7], sizes = [1], strides = [1]} : vector<16xi32> to vector<1xi32>
      %squeeze3A_135 = vector.extract %slice3A_134[0] : i32 from vector<1xi32>
      %mul3A_136 = arith.constant 8 : i32
      %mul3A_137 = arith.muli %squeeze3A_135, %mul3A_136 : i32
      %dma_start3A_138 = arith.constant 7 : i32
      %dma_start3A_139 = arith.constant 0 : i32
      %dma_start3A_140 = arith.constant 0 : i32
      %dma_start3A_141 = tpu.memref_slice %arg7[%dma_start3A_138, %dma_start3A_139, %dma_start3A_140] : memref<16x8x64xf32, #tpu.memory_space<vmem>> -> memref<1x8x64xf32, #tpu.memory_space<vmem>>
      %dma_start3A_142 = tpu.memref_squeeze %dma_start3A_141 : memref<1x8x64xf32, #tpu.memory_space<vmem>> -> memref<8x64xf32, #tpu.memory_space<vmem>>
      %dma_start3A_143 = arith.constant 0 : i32
      %dma_start3A_144 = tpu.memref_slice %arg3[%mul3A_137, %dma_start3A_143] : memref<1000000x64xf32, #tpu.memory_space<hbm>> -> memref<8x64xf32, #tpu.memory_space<hbm>>
      %dma_start3A_145 = arith.constant 0 : i32
      %dma_start3A_146 = arith.constant 0 : i32
      %dma_start3A_147 = tpu.memref_slice %arg7[%dma_start3A_138, %dma_start3A_145, %dma_start3A_146] : memref<16x8x64xf32, #tpu.memory_space<vmem>> -> memref<1x8x64xf32, #tpu.memory_space<vmem>>
      %dma_start3A_148 = tpu.memref_squeeze %dma_start3A_147 : memref<1x8x64xf32, #tpu.memory_space<vmem>> -> memref<8x64xf32, #tpu.memory_space<vmem>>
      %dma_start3A_149 = arith.constant 0 : i32
      %dma_start3A_150 = tpu.memref_slice %arg3[%mul3A_137, %dma_start3A_149] : memref<1000000x64xf32, #tpu.memory_space<hbm>> -> memref<8x64xf32, #tpu.memory_space<hbm>>
      tpu.enqueue_dma source(%dma_start3A_150 : memref<8x64xf32, #tpu.memory_space<hbm>>) target(%dma_start3A_148 : memref<8x64xf32, #tpu.memory_space<vmem>>) target_semaphore(%arg9 : memref<!tpu.dma_semaphore, #tpu.memory_space<semaphore_mem>>)
      %slice3A_151 = vector.extract_strided_slice %shift_right_arithmetic3A_17 {offsets = [8], sizes = [1], strides = [1]} : vector<16xi32> to vector<1xi32>
      %squeeze3A_152 = vector.extract %slice3A_151[0] : i32 from vector<1xi32>
      %mul3A_153 = arith.constant 8 : i32
      %mul3A_154 = arith.muli %squeeze3A_152, %mul3A_153 : i32
      %dma_start3A_155 = arith.constant 8 : i32
      %dma_start3A_156 = arith.constant 0 : i32
      %dma_start3A_157 = arith.constant 0 : i32
      %dma_start3A_158 = tpu.memref_slice %arg7[%dma_start3A_155, %dma_start3A_156, %dma_start3A_157] : memref<16x8x64xf32, #tpu.memory_space<vmem>> -> memref<1x8x64xf32, #tpu.memory_space<vmem>>
      %dma_start3A_159 = tpu.memref_squeeze %dma_start3A_158 : memref<1x8x64xf32, #tpu.memory_space<vmem>> -> memref<8x64xf32, #tpu.memory_space<vmem>>
      %dma_start3A_160 = arith.constant 0 : i32
      %dma_start3A_161 = tpu.memref_slice %arg3[%mul3A_154, %dma_start3A_160] : memref<1000000x64xf32, #tpu.memory_space<hbm>> -> memref<8x64xf32, #tpu.memory_space<hbm>>
      %dma_start3A_162 = arith.constant 0 : i32
      %dma_start3A_163 = arith.constant 0 : i32
      %dma_start3A_164 = tpu.memref_slice %arg7[%dma_start3A_155, %dma_start3A_162, %dma_start3A_163] : memref<16x8x64xf32, #tpu.memory_space<vmem>> -> memref<1x8x64xf32, #tpu.memory_space<vmem>>
      %dma_start3A_165 = tpu.memref_squeeze %dma_start3A_164 : memref<1x8x64xf32, #tpu.memory_space<vmem>> -> memref<8x64xf32, #tpu.memory_space<vmem>>
      %dma_start3A_166 = arith.constant 0 : i32
      %dma_start3A_167 = tpu.memref_slice %arg3[%mul3A_154, %dma_start3A_166] : memref<1000000x64xf32, #tpu.memory_space<hbm>> -> memref<8x64xf32, #tpu.memory_space<hbm>>
      tpu.enqueue_dma source(%dma_start3A_167 : memref<8x64xf32, #tpu.memory_space<hbm>>) target(%dma_start3A_165 : memref<8x64xf32, #tpu.memory_space<vmem>>) target_semaphore(%arg9 : memref<!tpu.dma_semaphore, #tpu.memory_space<semaphore_mem>>)
      %slice3A_168 = vector.extract_strided_slice %shift_right_arithmetic3A_17 {offsets = [9], sizes = [1], strides = [1]} : vector<16xi32> to vector<1xi32>
      %squeeze3A_169 = vector.extract %slice3A_168[0] : i32 from vector<1xi32>
      %mul3A_170 = arith.constant 8 : i32
      %mul3A_171 = arith.muli %squeeze3A_169, %mul3A_170 : i32
      %dma_start3A_172 = arith.constant 9 : i32
      %dma_start3A_173 = arith.constant 0 : i32
      %dma_start3A_174 = arith.constant 0 : i32
      %dma_start3A_175 = tpu.memref_slice %arg7[%dma_start3A_172, %dma_start3A_173, %dma_start3A_174] : memref<16x8x64xf32, #tpu.memory_space<vmem>> -> memref<1x8x64xf32, #tpu.memory_space<vmem>>
      %dma_start3A_176 = tpu.memref_squeeze %dma_start3A_175 : memref<1x8x64xf32, #tpu.memory_space<vmem>> -> memref<8x64xf32, #tpu.memory_space<vmem>>
      %dma_start3A_177 = arith.constant 0 : i32
      %dma_start3A_178 = tpu.memref_slice %arg3[%mul3A_171, %dma_start3A_177] : memref<1000000x64xf32, #tpu.memory_space<hbm>> -> memref<8x64xf32, #tpu.memory_space<hbm>>
      %dma_start3A_179 = arith.constant 0 : i32
      %dma_start3A_180 = arith.constant 0 : i32
      %dma_start3A_181 = tpu.memref_slice %arg7[%dma_start3A_172, %dma_start3A_179, %dma_start3A_180] : memref<16x8x64xf32, #tpu.memory_space<vmem>> -> memref<1x8x64xf32, #tpu.memory_space<vmem>>
      %dma_start3A_182 = tpu.memref_squeeze %dma_start3A_181 : memref<1x8x64xf32, #tpu.memory_space<vmem>> -> memref<8x64xf32, #tpu.memory_space<vmem>>
      %dma_start3A_183 = arith.constant 0 : i32
      %dma_start3A_184 = tpu.memref_slice %arg3[%mul3A_171, %dma_start3A_183] : memref<1000000x64xf32, #tpu.memory_space<hbm>> -> memref<8x64xf32, #tpu.memory_space<hbm>>
      tpu.enqueue_dma source(%dma_start3A_184 : memref<8x64xf32, #tpu.memory_space<hbm>>) target(%dma_start3A_182 : memref<8x64xf32, #tpu.memory_space<vmem>>) target_semaphore(%arg9 : memref<!tpu.dma_semaphore, #tpu.memory_space<semaphore_mem>>)
      %slice3A_185 = vector.extract_strided_slice %shift_right_arithmetic3A_17 {offsets = [10], sizes = [1], strides = [1]} : vector<16xi32> to vector<1xi32>
      %squeeze3A_186 = vector.extract %slice3A_185[0] : i32 from vector<1xi32>
      %mul3A_187 = arith.constant 8 : i32
      %mul3A_188 = arith.muli %squeeze3A_186, %mul3A_187 : i32
      %dma_start3A_189 = arith.constant 10 : i32
      %dma_start3A_190 = arith.constant 0 : i32
      %dma_start3A_191 = arith.constant 0 : i32
      %dma_start3A_192 = tpu.memref_slice %arg7[%dma_start3A_189, %dma_start3A_190, %dma_start3A_191] : memref<16x8x64xf32, #tpu.memory_space<vmem>> -> memref<1x8x64xf32, #tpu.memory_space<vmem>>
      %dma_start3A_193 = tpu.memref_squeeze %dma_start3A_192 : memref<1x8x64xf32, #tpu.memory_space<vmem>> -> memref<8x64xf32, #tpu.memory_space<vmem>>
      %dma_start3A_194 = arith.constant 0 : i32
      %dma_start3A_195 = tpu.memref_slice %arg3[%mul3A_188, %dma_start3A_194] : memref<1000000x64xf32, #tpu.memory_space<hbm>> -> memref<8x64xf32, #tpu.memory_space<hbm>>
      %dma_start3A_196 = arith.constant 0 : i32
      %dma_start3A_197 = arith.constant 0 : i32
      %dma_start3A_198 = tpu.memref_slice %arg7[%dma_start3A_189, %dma_start3A_196, %dma_start3A_197] : memref<16x8x64xf32, #tpu.memory_space<vmem>> -> memref<1x8x64xf32, #tpu.memory_space<vmem>>
      %dma_start3A_199 = tpu.memref_squeeze %dma_start3A_198 : memref<1x8x64xf32, #tpu.memory_space<vmem>> -> memref<8x64xf32, #tpu.memory_space<vmem>>
      %dma_start3A_200 = arith.constant 0 : i32
      %dma_start3A_201 = tpu.memref_slice %arg3[%mul3A_188, %dma_start3A_200] : memref<1000000x64xf32, #tpu.memory_space<hbm>> -> memref<8x64xf32, #tpu.memory_space<hbm>>
      tpu.enqueue_dma source(%dma_start3A_201 : memref<8x64xf32, #tpu.memory_space<hbm>>) target(%dma_start3A_199 : memref<8x64xf32, #tpu.memory_space<vmem>>) target_semaphore(%arg9 : memref<!tpu.dma_semaphore, #tpu.memory_space<semaphore_mem>>)
      %slice3A_202 = vector.extract_strided_slice %shift_right_arithmetic3A_17 {offsets = [11], sizes = [1], strides = [1]} : vector<16xi32> to vector<1xi32>
      %squeeze3A_203 = vector.extract %slice3A_202[0] : i32 from vector<1xi32>
      %mul3A_204 = arith.constant 8 : i32
      %mul3A_205 = arith.muli %squeeze3A_203, %mul3A_204 : i32
      %dma_start3A_206 = arith.constant 11 : i32
      %dma_start3A_207 = arith.constant 0 : i32
      %dma_start3A_208 = arith.constant 0 : i32
      %dma_start3A_209 = tpu.memref_slice %arg7[%dma_start3A_206, %dma_start3A_207, %dma_start3A_208] : memref<16x8x64xf32, #tpu.memory_space<vmem>> -> memref<1x8x64xf32, #tpu.memory_space<vmem>>
      %dma_start3A_210 = tpu.memref_squeeze %dma_start3A_209 : memref<1x8x64xf32, #tpu.memory_space<vmem>> -> memref<8x64xf32, #tpu.memory_space<vmem>>
      %dma_start3A_211 = arith.constant 0 : i32
      %dma_start3A_212 = tpu.memref_slice %arg3[%mul3A_205, %dma_start3A_211] : memref<1000000x64xf32, #tpu.memory_space<hbm>> -> memref<8x64xf32, #tpu.memory_space<hbm>>
      %dma_start3A_213 = arith.constant 0 : i32
      %dma_start3A_214 = arith.constant 0 : i32
      %dma_start3A_215 = tpu.memref_slice %arg7[%dma_start3A_206, %dma_start3A_213, %dma_start3A_214] : memref<16x8x64xf32, #tpu.memory_space<vmem>> -> memref<1x8x64xf32, #tpu.memory_space<vmem>>
      %dma_start3A_216 = tpu.memref_squeeze %dma_start3A_215 : memref<1x8x64xf32, #tpu.memory_space<vmem>> -> memref<8x64xf32, #tpu.memory_space<vmem>>
      %dma_start3A_217 = arith.constant 0 : i32
      %dma_start3A_218 = tpu.memref_slice %arg3[%mul3A_205, %dma_start3A_217] : memref<1000000x64xf32, #tpu.memory_space<hbm>> -> memref<8x64xf32, #tpu.memory_space<hbm>>
      tpu.enqueue_dma source(%dma_start3A_218 : memref<8x64xf32, #tpu.memory_space<hbm>>) target(%dma_start3A_216 : memref<8x64xf32, #tpu.memory_space<vmem>>) target_semaphore(%arg9 : memref<!tpu.dma_semaphore, #tpu.memory_space<semaphore_mem>>)
      %slice3A_219 = vector.extract_strided_slice %shift_right_arithmetic3A_17 {offsets = [12], sizes = [1], strides = [1]} : vector<16xi32> to vector<1xi32>
      %squeeze3A_220 = vector.extract %slice3A_219[0] : i32 from vector<1xi32>
      %mul3A_221 = arith.constant 8 : i32
      %mul3A_222 = arith.muli %squeeze3A_220, %mul3A_221 : i32
      %dma_start3A_223 = arith.constant 12 : i32
      %dma_start3A_224 = arith.constant 0 : i32
      %dma_start3A_225 = arith.constant 0 : i32
      %dma_start3A_226 = tpu.memref_slice %arg7[%dma_start3A_223, %dma_start3A_224, %dma_start3A_225] : memref<16x8x64xf32, #tpu.memory_space<vmem>> -> memref<1x8x64xf32, #tpu.memory_space<vmem>>
      %dma_start3A_227 = tpu.memref_squeeze %dma_start3A_226 : memref<1x8x64xf32, #tpu.memory_space<vmem>> -> memref<8x64xf32, #tpu.memory_space<vmem>>
      %dma_start3A_228 = arith.constant 0 : i32
      %dma_start3A_229 = tpu.memref_slice %arg3[%mul3A_222, %dma_start3A_228] : memref<1000000x64xf32, #tpu.memory_space<hbm>> -> memref<8x64xf32, #tpu.memory_space<hbm>>
      %dma_start3A_230 = arith.constant 0 : i32
      %dma_start3A_231 = arith.constant 0 : i32
      %dma_start3A_232 = tpu.memref_slice %arg7[%dma_start3A_223, %dma_start3A_230, %dma_start3A_231] : memref<16x8x64xf32, #tpu.memory_space<vmem>> -> memref<1x8x64xf32, #tpu.memory_space<vmem>>
      %dma_start3A_233 = tpu.memref_squeeze %dma_start3A_232 : memref<1x8x64xf32, #tpu.memory_space<vmem>> -> memref<8x64xf32, #tpu.memory_space<vmem>>
      %dma_start3A_234 = arith.constant 0 : i32
      %dma_start3A_235 = tpu.memref_slice %arg3[%mul3A_222, %dma_start3A_234] : memref<1000000x64xf32, #tpu.memory_space<hbm>> -> memref<8x64xf32, #tpu.memory_space<hbm>>
      tpu.enqueue_dma source(%dma_start3A_235 : memref<8x64xf32, #tpu.memory_space<hbm>>) target(%dma_start3A_233 : memref<8x64xf32, #tpu.memory_space<vmem>>) target_semaphore(%arg9 : memref<!tpu.dma_semaphore, #tpu.memory_space<semaphore_mem>>)
      %slice3A_236 = vector.extract_strided_slice %shift_right_arithmetic3A_17 {offsets = [13], sizes = [1], strides = [1]} : vector<16xi32> to vector<1xi32>
      %squeeze3A_237 = vector.extract %slice3A_236[0] : i32 from vector<1xi32>
      %mul3A_238 = arith.constant 8 : i32
      %mul3A_239 = arith.muli %squeeze3A_237, %mul3A_238 : i32
      %dma_start3A_240 = arith.constant 13 : i32
      %dma_start3A_241 = arith.constant 0 : i32
      %dma_start3A_242 = arith.constant 0 : i32
      %dma_start3A_243 = tpu.memref_slice %arg7[%dma_start3A_240, %dma_start3A_241, %dma_start3A_242] : memref<16x8x64xf32, #tpu.memory_space<vmem>> -> memref<1x8x64xf32, #tpu.memory_space<vmem>>
      %dma_start3A_244 = tpu.memref_squeeze %dma_start3A_243 : memref<1x8x64xf32, #tpu.memory_space<vmem>> -> memref<8x64xf32, #tpu.memory_space<vmem>>
      %dma_start3A_245 = arith.constant 0 : i32
      %dma_start3A_246 = tpu.memref_slice %arg3[%mul3A_239, %dma_start3A_245] : memref<1000000x64xf32, #tpu.memory_space<hbm>> -> memref<8x64xf32, #tpu.memory_space<hbm>>
      %dma_start3A_247 = arith.constant 0 : i32
      %dma_start3A_248 = arith.constant 0 : i32
      %dma_start3A_249 = tpu.memref_slice %arg7[%dma_start3A_240, %dma_start3A_247, %dma_start3A_248] : memref<16x8x64xf32, #tpu.memory_space<vmem>> -> memref<1x8x64xf32, #tpu.memory_space<vmem>>
      %dma_start3A_250 = tpu.memref_squeeze %dma_start3A_249 : memref<1x8x64xf32, #tpu.memory_space<vmem>> -> memref<8x64xf32, #tpu.memory_space<vmem>>
      %dma_start3A_251 = arith.constant 0 : i32
      %dma_start3A_252 = tpu.memref_slice %arg3[%mul3A_239, %dma_start3A_251] : memref<1000000x64xf32, #tpu.memory_space<hbm>> -> memref<8x64xf32, #tpu.memory_space<hbm>>
      tpu.enqueue_dma source(%dma_start3A_252 : memref<8x64xf32, #tpu.memory_space<hbm>>) target(%dma_start3A_250 : memref<8x64xf32, #tpu.memory_space<vmem>>) target_semaphore(%arg9 : memref<!tpu.dma_semaphore, #tpu.memory_space<semaphore_mem>>)
      %slice3A_253 = vector.extract_strided_slice %shift_right_arithmetic3A_17 {offsets = [14], sizes = [1], strides = [1]} : vector<16xi32> to vector<1xi32>
      %squeeze3A_254 = vector.extract %slice3A_253[0] : i32 from vector<1xi32>
      %mul3A_255 = arith.constant 8 : i32
      %mul3A_256 = arith.muli %squeeze3A_254, %mul3A_255 : i32
      %dma_start3A_257 = arith.constant 14 : i32
      %dma_start3A_258 = arith.constant 0 : i32
      %dma_start3A_259 = arith.constant 0 : i32
      %dma_start3A_260 = tpu.memref_slice %arg7[%dma_start3A_257, %dma_start3A_258, %dma_start3A_259] : memref<16x8x64xf32, #tpu.memory_space<vmem>> -> memref<1x8x64xf32, #tpu.memory_space<vmem>>
      %dma_start3A_261 = tpu.memref_squeeze %dma_start3A_260 : memref<1x8x64xf32, #tpu.memory_space<vmem>> -> memref<8x64xf32, #tpu.memory_space<vmem>>
      %dma_start3A_262 = arith.constant 0 : i32
      %dma_start3A_263 = tpu.memref_slice %arg3[%mul3A_256, %dma_start3A_262] : memref<1000000x64xf32, #tpu.memory_space<hbm>> -> memref<8x64xf32, #tpu.memory_space<hbm>>
      %dma_start3A_264 = arith.constant 0 : i32
      %dma_start3A_265 = arith.constant 0 : i32
      %dma_start3A_266 = tpu.memref_slice %arg7[%dma_start3A_257, %dma_start3A_264, %dma_start3A_265] : memref<16x8x64xf32, #tpu.memory_space<vmem>> -> memref<1x8x64xf32, #tpu.memory_space<vmem>>
      %dma_start3A_267 = tpu.memref_squeeze %dma_start3A_266 : memref<1x8x64xf32, #tpu.memory_space<vmem>> -> memref<8x64xf32, #tpu.memory_space<vmem>>
      %dma_start3A_268 = arith.constant 0 : i32
      %dma_start3A_269 = tpu.memref_slice %arg3[%mul3A_256, %dma_start3A_268] : memref<1000000x64xf32, #tpu.memory_space<hbm>> -> memref<8x64xf32, #tpu.memory_space<hbm>>
      tpu.enqueue_dma source(%dma_start3A_269 : memref<8x64xf32, #tpu.memory_space<hbm>>) target(%dma_start3A_267 : memref<8x64xf32, #tpu.memory_space<vmem>>) target_semaphore(%arg9 : memref<!tpu.dma_semaphore, #tpu.memory_space<semaphore_mem>>)
      %slice3A_270 = vector.extract_strided_slice %shift_right_arithmetic3A_17 {offsets = [15], sizes = [1], strides = [1]} : vector<16xi32> to vector<1xi32>
      %squeeze3A_271 = vector.extract %slice3A_270[0] : i32 from vector<1xi32>
      %mul3A_272 = arith.constant 8 : i32
      %mul3A_273 = arith.muli %squeeze3A_271, %mul3A_272 : i32
      %dma_start3A_274 = arith.constant 15 : i32
      %dma_start3A_275 = arith.constant 0 : i32
      %dma_start3A_276 = arith.constant 0 : i32
      %dma_start3A_277 = tpu.memref_slice %arg7[%dma_start3A_274, %dma_start3A_275, %dma_start3A_276] : memref<16x8x64xf32, #tpu.memory_space<vmem>> -> memref<1x8x64xf32, #tpu.memory_space<vmem>>
      %dma_start3A_278 = tpu.memref_squeeze %dma_start3A_277 : memref<1x8x64xf32, #tpu.memory_space<vmem>> -> memref<8x64xf32, #tpu.memory_space<vmem>>
      %dma_start3A_279 = arith.constant 0 : i32
      %dma_start3A_280 = tpu.memref_slice %arg3[%mul3A_273, %dma_start3A_279] : memref<1000000x64xf32, #tpu.memory_space<hbm>> -> memref<8x64xf32, #tpu.memory_space<hbm>>
      %dma_start3A_281 = arith.constant 0 : i32
      %dma_start3A_282 = arith.constant 0 : i32
      %dma_start3A_283 = tpu.memref_slice %arg7[%dma_start3A_274, %dma_start3A_281, %dma_start3A_282] : memref<16x8x64xf32, #tpu.memory_space<vmem>> -> memref<1x8x64xf32, #tpu.memory_space<vmem>>
      %dma_start3A_284 = tpu.memref_squeeze %dma_start3A_283 : memref<1x8x64xf32, #tpu.memory_space<vmem>> -> memref<8x64xf32, #tpu.memory_space<vmem>>
      %dma_start3A_285 = arith.constant 0 : i32
      %dma_start3A_286 = tpu.memref_slice %arg3[%mul3A_273, %dma_start3A_285] : memref<1000000x64xf32, #tpu.memory_space<hbm>> -> memref<8x64xf32, #tpu.memory_space<hbm>>
      tpu.enqueue_dma source(%dma_start3A_286 : memref<8x64xf32, #tpu.memory_space<hbm>>) target(%dma_start3A_284 : memref<8x64xf32, #tpu.memory_space<vmem>>) target_semaphore(%arg9 : memref<!tpu.dma_semaphore, #tpu.memory_space<semaphore_mem>>)
      %dma_wait3A = arith.constant 0 : i32
      %dma_wait3A_287 = arith.constant 0 : i32
      %dma_wait3A_288 = arith.constant 0 : i32
      %dma_wait3A_289 = tpu.memref_slice %arg7[%dma_wait3A, %dma_wait3A_287, %dma_wait3A_288] : memref<16x8x64xf32, #tpu.memory_space<vmem>> -> memref<1x8x64xf32, #tpu.memory_space<vmem>>
      %dma_wait3A_290 = tpu.memref_squeeze %dma_wait3A_289 : memref<1x8x64xf32, #tpu.memory_space<vmem>> -> memref<8x64xf32, #tpu.memory_space<vmem>>
      %dma_wait3A_291 = arith.constant 0 : i32
      %dma_wait3A_292 = arith.constant 0 : i32
      %dma_wait3A_293 = tpu.memref_slice %arg3[%dma_wait3A_291, %dma_wait3A_292] : memref<1000000x64xf32, #tpu.memory_space<hbm>> -> memref<8x64xf32, #tpu.memory_space<hbm>>
      %dma_wait3A_294 = arith.constant 0 : i32
      %dma_wait3A_295 = arith.constant 0 : i32
      %dma_wait3A_296 = tpu.memref_slice %arg7[%dma_wait3A, %dma_wait3A_294, %dma_wait3A_295] : memref<16x8x64xf32, #tpu.memory_space<vmem>> -> memref<1x8x64xf32, #tpu.memory_space<vmem>>
      %dma_wait3A_297 = tpu.memref_squeeze %dma_wait3A_296 : memref<1x8x64xf32, #tpu.memory_space<vmem>> -> memref<8x64xf32, #tpu.memory_space<vmem>>
      %dma_wait3A_298 = arith.constant 0 : i32
      %dma_wait3A_299 = arith.constant 0 : i32
      %dma_wait3A_300 = tpu.memref_slice %arg3[%dma_wait3A_298, %dma_wait3A_299] : memref<1000000x64xf32, #tpu.memory_space<hbm>> -> memref<8x64xf32, #tpu.memory_space<hbm>>
      tpu.wait_dma2 semaphore(%arg9 : memref<!tpu.dma_semaphore, #tpu.memory_space<semaphore_mem>>) src(%dma_wait3A_300 : memref<8x64xf32, #tpu.memory_space<hbm>>) dst(%dma_wait3A_297 : memref<8x64xf32, #tpu.memory_space<vmem>>)
      %dma_wait3A_301 = arith.constant 1 : i32
      %dma_wait3A_302 = arith.constant 0 : i32
      %dma_wait3A_303 = arith.constant 0 : i32
      %dma_wait3A_304 = tpu.memref_slice %arg7[%dma_wait3A_301, %dma_wait3A_302, %dma_wait3A_303] : memref<16x8x64xf32, #tpu.memory_space<vmem>> -> memref<1x8x64xf32, #tpu.memory_space<vmem>>
      %dma_wait3A_305 = tpu.memref_squeeze %dma_wait3A_304 : memref<1x8x64xf32, #tpu.memory_space<vmem>> -> memref<8x64xf32, #tpu.memory_space<vmem>>
      %dma_wait3A_306 = arith.constant 0 : i32
      %dma_wait3A_307 = arith.constant 0 : i32
      %dma_wait3A_308 = tpu.memref_slice %arg3[%dma_wait3A_306, %dma_wait3A_307] : memref<1000000x64xf32, #tpu.memory_space<hbm>> -> memref<8x64xf32, #tpu.memory_space<hbm>>
      %dma_wait3A_309 = arith.constant 0 : i32
      %dma_wait3A_310 = arith.constant 0 : i32
      %dma_wait3A_311 = tpu.memref_slice %arg7[%dma_wait3A_301, %dma_wait3A_309, %dma_wait3A_310] : memref<16x8x64xf32, #tpu.memory_space<vmem>> -> memref<1x8x64xf32, #tpu.memory_space<vmem>>
      %dma_wait3A_312 = tpu.memref_squeeze %dma_wait3A_311 : memref<1x8x64xf32, #tpu.memory_space<vmem>> -> memref<8x64xf32, #tpu.memory_space<vmem>>
      %dma_wait3A_313 = arith.constant 0 : i32
      %dma_wait3A_314 = arith.constant 0 : i32
      %dma_wait3A_315 = tpu.memref_slice %arg3[%dma_wait3A_313, %dma_wait3A_314] : memref<1000000x64xf32, #tpu.memory_space<hbm>> -> memref<8x64xf32, #tpu.memory_space<hbm>>
      tpu.wait_dma2 semaphore(%arg9 : memref<!tpu.dma_semaphore, #tpu.memory_space<semaphore_mem>>) src(%dma_wait3A_315 : memref<8x64xf32, #tpu.memory_space<hbm>>) dst(%dma_wait3A_312 : memref<8x64xf32, #tpu.memory_space<vmem>>)
      %dma_wait3A_316 = arith.constant 2 : i32
      %dma_wait3A_317 = arith.constant 0 : i32
      %dma_wait3A_318 = arith.constant 0 : i32
      %dma_wait3A_319 = tpu.memref_slice %arg7[%dma_wait3A_316, %dma_wait3A_317, %dma_wait3A_318] : memref<16x8x64xf32, #tpu.memory_space<vmem>> -> memref<1x8x64xf32, #tpu.memory_space<vmem>>
      %dma_wait3A_320 = tpu.memref_squeeze %dma_wait3A_319 : memref<1x8x64xf32, #tpu.memory_space<vmem>> -> memref<8x64xf32, #tpu.memory_space<vmem>>
      %dma_wait3A_321 = arith.constant 0 : i32
      %dma_wait3A_322 = arith.constant 0 : i32
      %dma_wait3A_323 = tpu.memref_slice %arg3[%dma_wait3A_321, %dma_wait3A_322] : memref<1000000x64xf32, #tpu.memory_space<hbm>> -> memref<8x64xf32, #tpu.memory_space<hbm>>
      %dma_wait3A_324 = arith.constant 0 : i32
      %dma_wait3A_325 = arith.constant 0 : i32
      %dma_wait3A_326 = tpu.memref_slice %arg7[%dma_wait3A_316, %dma_wait3A_324, %dma_wait3A_325] : memref<16x8x64xf32, #tpu.memory_space<vmem>> -> memref<1x8x64xf32, #tpu.memory_space<vmem>>
      %dma_wait3A_327 = tpu.memref_squeeze %dma_wait3A_326 : memref<1x8x64xf32, #tpu.memory_space<vmem>> -> memref<8x64xf32, #tpu.memory_space<vmem>>
      %dma_wait3A_328 = arith.constant 0 : i32
      %dma_wait3A_329 = arith.constant 0 : i32
      %dma_wait3A_330 = tpu.memref_slice %arg3[%dma_wait3A_328, %dma_wait3A_329] : memref<1000000x64xf32, #tpu.memory_space<hbm>> -> memref<8x64xf32, #tpu.memory_space<hbm>>
      tpu.wait_dma2 semaphore(%arg9 : memref<!tpu.dma_semaphore, #tpu.memory_space<semaphore_mem>>) src(%dma_wait3A_330 : memref<8x64xf32, #tpu.memory_space<hbm>>) dst(%dma_wait3A_327 : memref<8x64xf32, #tpu.memory_space<vmem>>)
      %dma_wait3A_331 = arith.constant 3 : i32
      %dma_wait3A_332 = arith.constant 0 : i32
      %dma_wait3A_333 = arith.constant 0 : i32
      %dma_wait3A_334 = tpu.memref_slice %arg7[%dma_wait3A_331, %dma_wait3A_332, %dma_wait3A_333] : memref<16x8x64xf32, #tpu.memory_space<vmem>> -> memref<1x8x64xf32, #tpu.memory_space<vmem>>
      %dma_wait3A_335 = tpu.memref_squeeze %dma_wait3A_334 : memref<1x8x64xf32, #tpu.memory_space<vmem>> -> memref<8x64xf32, #tpu.memory_space<vmem>>
      %dma_wait3A_336 = arith.constant 0 : i32
      %dma_wait3A_337 = arith.constant 0 : i32
      %dma_wait3A_338 = tpu.memref_slice %arg3[%dma_wait3A_336, %dma_wait3A_337] : memref<1000000x64xf32, #tpu.memory_space<hbm>> -> memref<8x64xf32, #tpu.memory_space<hbm>>
      %dma_wait3A_339 = arith.constant 0 : i32
      %dma_wait3A_340 = arith.constant 0 : i32
      %dma_wait3A_341 = tpu.memref_slice %arg7[%dma_wait3A_331, %dma_wait3A_339, %dma_wait3A_340] : memref<16x8x64xf32, #tpu.memory_space<vmem>> -> memref<1x8x64xf32, #tpu.memory_space<vmem>>
      %dma_wait3A_342 = tpu.memref_squeeze %dma_wait3A_341 : memref<1x8x64xf32, #tpu.memory_space<vmem>> -> memref<8x64xf32, #tpu.memory_space<vmem>>
      %dma_wait3A_343 = arith.constant 0 : i32
      %dma_wait3A_344 = arith.constant 0 : i32
      %dma_wait3A_345 = tpu.memref_slice %arg3[%dma_wait3A_343, %dma_wait3A_344] : memref<1000000x64xf32, #tpu.memory_space<hbm>> -> memref<8x64xf32, #tpu.memory_space<hbm>>
      tpu.wait_dma2 semaphore(%arg9 : memref<!tpu.dma_semaphore, #tpu.memory_space<semaphore_mem>>) src(%dma_wait3A_345 : memref<8x64xf32, #tpu.memory_space<hbm>>) dst(%dma_wait3A_342 : memref<8x64xf32, #tpu.memory_space<vmem>>)
      %dma_wait3A_346 = arith.constant 4 : i32
      %dma_wait3A_347 = arith.constant 0 : i32
      %dma_wait3A_348 = arith.constant 0 : i32
      %dma_wait3A_349 = tpu.memref_slice %arg7[%dma_wait3A_346, %dma_wait3A_347, %dma_wait3A_348] : memref<16x8x64xf32, #tpu.memory_space<vmem>> -> memref<1x8x64xf32, #tpu.memory_space<vmem>>
      %dma_wait3A_350 = tpu.memref_squeeze %dma_wait3A_349 : memref<1x8x64xf32, #tpu.memory_space<vmem>> -> memref<8x64xf32, #tpu.memory_space<vmem>>
      %dma_wait3A_351 = arith.constant 0 : i32
      %dma_wait3A_352 = arith.constant 0 : i32
      %dma_wait3A_353 = tpu.memref_slice %arg3[%dma_wait3A_351, %dma_wait3A_352] : memref<1000000x64xf32, #tpu.memory_space<hbm>> -> memref<8x64xf32, #tpu.memory_space<hbm>>
      %dma_wait3A_354 = arith.constant 0 : i32
      %dma_wait3A_355 = arith.constant 0 : i32
      %dma_wait3A_356 = tpu.memref_slice %arg7[%dma_wait3A_346, %dma_wait3A_354, %dma_wait3A_355] : memref<16x8x64xf32, #tpu.memory_space<vmem>> -> memref<1x8x64xf32, #tpu.memory_space<vmem>>
      %dma_wait3A_357 = tpu.memref_squeeze %dma_wait3A_356 : memref<1x8x64xf32, #tpu.memory_space<vmem>> -> memref<8x64xf32, #tpu.memory_space<vmem>>
      %dma_wait3A_358 = arith.constant 0 : i32
      %dma_wait3A_359 = arith.constant 0 : i32
      %dma_wait3A_360 = tpu.memref_slice %arg3[%dma_wait3A_358, %dma_wait3A_359] : memref<1000000x64xf32, #tpu.memory_space<hbm>> -> memref<8x64xf32, #tpu.memory_space<hbm>>
      tpu.wait_dma2 semaphore(%arg9 : memref<!tpu.dma_semaphore, #tpu.memory_space<semaphore_mem>>) src(%dma_wait3A_360 : memref<8x64xf32, #tpu.memory_space<hbm>>) dst(%dma_wait3A_357 : memref<8x64xf32, #tpu.memory_space<vmem>>)
      %dma_wait3A_361 = arith.constant 5 : i32
      %dma_wait3A_362 = arith.constant 0 : i32
      %dma_wait3A_363 = arith.constant 0 : i32
      %dma_wait3A_364 = tpu.memref_slice %arg7[%dma_wait3A_361, %dma_wait3A_362, %dma_wait3A_363] : memref<16x8x64xf32, #tpu.memory_space<vmem>> -> memref<1x8x64xf32, #tpu.memory_space<vmem>>
      %dma_wait3A_365 = tpu.memref_squeeze %dma_wait3A_364 : memref<1x8x64xf32, #tpu.memory_space<vmem>> -> memref<8x64xf32, #tpu.memory_space<vmem>>
      %dma_wait3A_366 = arith.constant 0 : i32
      %dma_wait3A_367 = arith.constant 0 : i32
      %dma_wait3A_368 = tpu.memref_slice %arg3[%dma_wait3A_366, %dma_wait3A_367] : memref<1000000x64xf32, #tpu.memory_space<hbm>> -> memref<8x64xf32, #tpu.memory_space<hbm>>
      %dma_wait3A_369 = arith.constant 0 : i32
      %dma_wait3A_370 = arith.constant 0 : i32
      %dma_wait3A_371 = tpu.memref_slice %arg7[%dma_wait3A_361, %dma_wait3A_369, %dma_wait3A_370] : memref<16x8x64xf32, #tpu.memory_space<vmem>> -> memref<1x8x64xf32, #tpu.memory_space<vmem>>
      %dma_wait3A_372 = tpu.memref_squeeze %dma_wait3A_371 : memref<1x8x64xf32, #tpu.memory_space<vmem>> -> memref<8x64xf32, #tpu.memory_space<vmem>>
      %dma_wait3A_373 = arith.constant 0 : i32
      %dma_wait3A_374 = arith.constant 0 : i32
      %dma_wait3A_375 = tpu.memref_slice %arg3[%dma_wait3A_373, %dma_wait3A_374] : memref<1000000x64xf32, #tpu.memory_space<hbm>> -> memref<8x64xf32, #tpu.memory_space<hbm>>
      tpu.wait_dma2 semaphore(%arg9 : memref<!tpu.dma_semaphore, #tpu.memory_space<semaphore_mem>>) src(%dma_wait3A_375 : memref<8x64xf32, #tpu.memory_space<hbm>>) dst(%dma_wait3A_372 : memref<8x64xf32, #tpu.memory_space<vmem>>)
      %dma_wait3A_376 = arith.constant 6 : i32
      %dma_wait3A_377 = arith.constant 0 : i32
      %dma_wait3A_378 = arith.constant 0 : i32
      %dma_wait3A_379 = tpu.memref_slice %arg7[%dma_wait3A_376, %dma_wait3A_377, %dma_wait3A_378] : memref<16x8x64xf32, #tpu.memory_space<vmem>> -> memref<1x8x64xf32, #tpu.memory_space<vmem>>
      %dma_wait3A_380 = tpu.memref_squeeze %dma_wait3A_379 : memref<1x8x64xf32, #tpu.memory_space<vmem>> -> memref<8x64xf32, #tpu.memory_space<vmem>>
      %dma_wait3A_381 = arith.constant 0 : i32
      %dma_wait3A_382 = arith.constant 0 : i32
      %dma_wait3A_383 = tpu.memref_slice %arg3[%dma_wait3A_381, %dma_wait3A_382] : memref<1000000x64xf32, #tpu.memory_space<hbm>> -> memref<8x64xf32, #tpu.memory_space<hbm>>
      %dma_wait3A_384 = arith.constant 0 : i32
      %dma_wait3A_385 = arith.constant 0 : i32
      %dma_wait3A_386 = tpu.memref_slice %arg7[%dma_wait3A_376, %dma_wait3A_384, %dma_wait3A_385] : memref<16x8x64xf32, #tpu.memory_space<vmem>> -> memref<1x8x64xf32, #tpu.memory_space<vmem>>
      %dma_wait3A_387 = tpu.memref_squeeze %dma_wait3A_386 : memref<1x8x64xf32, #tpu.memory_space<vmem>> -> memref<8x64xf32, #tpu.memory_space<vmem>>
      %dma_wait3A_388 = arith.constant 0 : i32
      %dma_wait3A_389 = arith.constant 0 : i32
      %dma_wait3A_390 = tpu.memref_slice %arg3[%dma_wait3A_388, %dma_wait3A_389] : memref<1000000x64xf32, #tpu.memory_space<hbm>> -> memref<8x64xf32, #tpu.memory_space<hbm>>
      tpu.wait_dma2 semaphore(%arg9 : memref<!tpu.dma_semaphore, #tpu.memory_space<semaphore_mem>>) src(%dma_wait3A_390 : memref<8x64xf32, #tpu.memory_space<hbm>>) dst(%dma_wait3A_387 : memref<8x64xf32, #tpu.memory_space<vmem>>)
      %dma_wait3A_391 = arith.constant 7 : i32
      %dma_wait3A_392 = arith.constant 0 : i32
      %dma_wait3A_393 = arith.constant 0 : i32
      %dma_wait3A_394 = tpu.memref_slice %arg7[%dma_wait3A_391, %dma_wait3A_392, %dma_wait3A_393] : memref<16x8x64xf32, #tpu.memory_space<vmem>> -> memref<1x8x64xf32, #tpu.memory_space<vmem>>
      %dma_wait3A_395 = tpu.memref_squeeze %dma_wait3A_394 : memref<1x8x64xf32, #tpu.memory_space<vmem>> -> memref<8x64xf32, #tpu.memory_space<vmem>>
      %dma_wait3A_396 = arith.constant 0 : i32
      %dma_wait3A_397 = arith.constant 0 : i32
      %dma_wait3A_398 = tpu.memref_slice %arg3[%dma_wait3A_396, %dma_wait3A_397] : memref<1000000x64xf32, #tpu.memory_space<hbm>> -> memref<8x64xf32, #tpu.memory_space<hbm>>
      %dma_wait3A_399 = arith.constant 0 : i32
      %dma_wait3A_400 = arith.constant 0 : i32
      %dma_wait3A_401 = tpu.memref_slice %arg7[%dma_wait3A_391, %dma_wait3A_399, %dma_wait3A_400] : memref<16x8x64xf32, #tpu.memory_space<vmem>> -> memref<1x8x64xf32, #tpu.memory_space<vmem>>
      %dma_wait3A_402 = tpu.memref_squeeze %dma_wait3A_401 : memref<1x8x64xf32, #tpu.memory_space<vmem>> -> memref<8x64xf32, #tpu.memory_space<vmem>>
      %dma_wait3A_403 = arith.constant 0 : i32
      %dma_wait3A_404 = arith.constant 0 : i32
      %dma_wait3A_405 = tpu.memref_slice %arg3[%dma_wait3A_403, %dma_wait3A_404] : memref<1000000x64xf32, #tpu.memory_space<hbm>> -> memref<8x64xf32, #tpu.memory_space<hbm>>
      tpu.wait_dma2 semaphore(%arg9 : memref<!tpu.dma_semaphore, #tpu.memory_space<semaphore_mem>>) src(%dma_wait3A_405 : memref<8x64xf32, #tpu.memory_space<hbm>>) dst(%dma_wait3A_402 : memref<8x64xf32, #tpu.memory_space<vmem>>)
      %dma_wait3A_406 = arith.constant 8 : i32
      %dma_wait3A_407 = arith.constant 0 : i32
      %dma_wait3A_408 = arith.constant 0 : i32
      %dma_wait3A_409 = tpu.memref_slice %arg7[%dma_wait3A_406, %dma_wait3A_407, %dma_wait3A_408] : memref<16x8x64xf32, #tpu.memory_space<vmem>> -> memref<1x8x64xf32, #tpu.memory_space<vmem>>
      %dma_wait3A_410 = tpu.memref_squeeze %dma_wait3A_409 : memref<1x8x64xf32, #tpu.memory_space<vmem>> -> memref<8x64xf32, #tpu.memory_space<vmem>>
      %dma_wait3A_411 = arith.constant 0 : i32
      %dma_wait3A_412 = arith.constant 0 : i32
      %dma_wait3A_413 = tpu.memref_slice %arg3[%dma_wait3A_411, %dma_wait3A_412] : memref<1000000x64xf32, #tpu.memory_space<hbm>> -> memref<8x64xf32, #tpu.memory_space<hbm>>
      %dma_wait3A_414 = arith.constant 0 : i32
      %dma_wait3A_415 = arith.constant 0 : i32
      %dma_wait3A_416 = tpu.memref_slice %arg7[%dma_wait3A_406, %dma_wait3A_414, %dma_wait3A_415] : memref<16x8x64xf32, #tpu.memory_space<vmem>> -> memref<1x8x64xf32, #tpu.memory_space<vmem>>
      %dma_wait3A_417 = tpu.memref_squeeze %dma_wait3A_416 : memref<1x8x64xf32, #tpu.memory_space<vmem>> -> memref<8x64xf32, #tpu.memory_space<vmem>>
      %dma_wait3A_418 = arith.constant 0 : i32
      %dma_wait3A_419 = arith.constant 0 : i32
      %dma_wait3A_420 = tpu.memref_slice %arg3[%dma_wait3A_418, %dma_wait3A_419] : memref<1000000x64xf32, #tpu.memory_space<hbm>> -> memref<8x64xf32, #tpu.memory_space<hbm>>
      tpu.wait_dma2 semaphore(%arg9 : memref<!tpu.dma_semaphore, #tpu.memory_space<semaphore_mem>>) src(%dma_wait3A_420 : memref<8x64xf32, #tpu.memory_space<hbm>>) dst(%dma_wait3A_417 : memref<8x64xf32, #tpu.memory_space<vmem>>)
      %dma_wait3A_421 = arith.constant 9 : i32
      %dma_wait3A_422 = arith.constant 0 : i32
      %dma_wait3A_423 = arith.constant 0 : i32
      %dma_wait3A_424 = tpu.memref_slice %arg7[%dma_wait3A_421, %dma_wait3A_422, %dma_wait3A_423] : memref<16x8x64xf32, #tpu.memory_space<vmem>> -> memref<1x8x64xf32, #tpu.memory_space<vmem>>
      %dma_wait3A_425 = tpu.memref_squeeze %dma_wait3A_424 : memref<1x8x64xf32, #tpu.memory_space<vmem>> -> memref<8x64xf32, #tpu.memory_space<vmem>>
      %dma_wait3A_426 = arith.constant 0 : i32
      %dma_wait3A_427 = arith.constant 0 : i32
      %dma_wait3A_428 = tpu.memref_slice %arg3[%dma_wait3A_426, %dma_wait3A_427] : memref<1000000x64xf32, #tpu.memory_space<hbm>> -> memref<8x64xf32, #tpu.memory_space<hbm>>
      %dma_wait3A_429 = arith.constant 0 : i32
      %dma_wait3A_430 = arith.constant 0 : i32
      %dma_wait3A_431 = tpu.memref_slice %arg7[%dma_wait3A_421, %dma_wait3A_429, %dma_wait3A_430] : memref<16x8x64xf32, #tpu.memory_space<vmem>> -> memref<1x8x64xf32, #tpu.memory_space<vmem>>
      %dma_wait3A_432 = tpu.memref_squeeze %dma_wait3A_431 : memref<1x8x64xf32, #tpu.memory_space<vmem>> -> memref<8x64xf32, #tpu.memory_space<vmem>>
      %dma_wait3A_433 = arith.constant 0 : i32
      %dma_wait3A_434 = arith.constant 0 : i32
      %dma_wait3A_435 = tpu.memref_slice %arg3[%dma_wait3A_433, %dma_wait3A_434] : memref<1000000x64xf32, #tpu.memory_space<hbm>> -> memref<8x64xf32, #tpu.memory_space<hbm>>
      tpu.wait_dma2 semaphore(%arg9 : memref<!tpu.dma_semaphore, #tpu.memory_space<semaphore_mem>>) src(%dma_wait3A_435 : memref<8x64xf32, #tpu.memory_space<hbm>>) dst(%dma_wait3A_432 : memref<8x64xf32, #tpu.memory_space<vmem>>)
      %dma_wait3A_436 = arith.constant 10 : i32
      %dma_wait3A_437 = arith.constant 0 : i32
      %dma_wait3A_438 = arith.constant 0 : i32
      %dma_wait3A_439 = tpu.memref_slice %arg7[%dma_wait3A_436, %dma_wait3A_437, %dma_wait3A_438] : memref<16x8x64xf32, #tpu.memory_space<vmem>> -> memref<1x8x64xf32, #tpu.memory_space<vmem>>
      %dma_wait3A_440 = tpu.memref_squeeze %dma_wait3A_439 : memref<1x8x64xf32, #tpu.memory_space<vmem>> -> memref<8x64xf32, #tpu.memory_space<vmem>>
      %dma_wait3A_441 = arith.constant 0 : i32
      %dma_wait3A_442 = arith.constant 0 : i32
      %dma_wait3A_443 = tpu.memref_slice %arg3[%dma_wait3A_441, %dma_wait3A_442] : memref<1000000x64xf32, #tpu.memory_space<hbm>> -> memref<8x64xf32, #tpu.memory_space<hbm>>
      %dma_wait3A_444 = arith.constant 0 : i32
      %dma_wait3A_445 = arith.constant 0 : i32
      %dma_wait3A_446 = tpu.memref_slice %arg7[%dma_wait3A_436, %dma_wait3A_444, %dma_wait3A_445] : memref<16x8x64xf32, #tpu.memory_space<vmem>> -> memref<1x8x64xf32, #tpu.memory_space<vmem>>
      %dma_wait3A_447 = tpu.memref_squeeze %dma_wait3A_446 : memref<1x8x64xf32, #tpu.memory_space<vmem>> -> memref<8x64xf32, #tpu.memory_space<vmem>>
      %dma_wait3A_448 = arith.constant 0 : i32
      %dma_wait3A_449 = arith.constant 0 : i32
      %dma_wait3A_450 = tpu.memref_slice %arg3[%dma_wait3A_448, %dma_wait3A_449] : memref<1000000x64xf32, #tpu.memory_space<hbm>> -> memref<8x64xf32, #tpu.memory_space<hbm>>
      tpu.wait_dma2 semaphore(%arg9 : memref<!tpu.dma_semaphore, #tpu.memory_space<semaphore_mem>>) src(%dma_wait3A_450 : memref<8x64xf32, #tpu.memory_space<hbm>>) dst(%dma_wait3A_447 : memref<8x64xf32, #tpu.memory_space<vmem>>)
      %dma_wait3A_451 = arith.constant 11 : i32
      %dma_wait3A_452 = arith.constant 0 : i32
      %dma_wait3A_453 = arith.constant 0 : i32
      %dma_wait3A_454 = tpu.memref_slice %arg7[%dma_wait3A_451, %dma_wait3A_452, %dma_wait3A_453] : memref<16x8x64xf32, #tpu.memory_space<vmem>> -> memref<1x8x64xf32, #tpu.memory_space<vmem>>
      %dma_wait3A_455 = tpu.memref_squeeze %dma_wait3A_454 : memref<1x8x64xf32, #tpu.memory_space<vmem>> -> memref<8x64xf32, #tpu.memory_space<vmem>>
      %dma_wait3A_456 = arith.constant 0 : i32
      %dma_wait3A_457 = arith.constant 0 : i32
      %dma_wait3A_458 = tpu.memref_slice %arg3[%dma_wait3A_456, %dma_wait3A_457] : memref<1000000x64xf32, #tpu.memory_space<hbm>> -> memref<8x64xf32, #tpu.memory_space<hbm>>
      %dma_wait3A_459 = arith.constant 0 : i32
      %dma_wait3A_460 = arith.constant 0 : i32
      %dma_wait3A_461 = tpu.memref_slice %arg7[%dma_wait3A_451, %dma_wait3A_459, %dma_wait3A_460] : memref<16x8x64xf32, #tpu.memory_space<vmem>> -> memref<1x8x64xf32, #tpu.memory_space<vmem>>
      %dma_wait3A_462 = tpu.memref_squeeze %dma_wait3A_461 : memref<1x8x64xf32, #tpu.memory_space<vmem>> -> memref<8x64xf32, #tpu.memory_space<vmem>>
      %dma_wait3A_463 = arith.constant 0 : i32
      %dma_wait3A_464 = arith.constant 0 : i32
      %dma_wait3A_465 = tpu.memref_slice %arg3[%dma_wait3A_463, %dma_wait3A_464] : memref<1000000x64xf32, #tpu.memory_space<hbm>> -> memref<8x64xf32, #tpu.memory_space<hbm>>
      tpu.wait_dma2 semaphore(%arg9 : memref<!tpu.dma_semaphore, #tpu.memory_space<semaphore_mem>>) src(%dma_wait3A_465 : memref<8x64xf32, #tpu.memory_space<hbm>>) dst(%dma_wait3A_462 : memref<8x64xf32, #tpu.memory_space<vmem>>)
      %dma_wait3A_466 = arith.constant 12 : i32
      %dma_wait3A_467 = arith.constant 0 : i32
      %dma_wait3A_468 = arith.constant 0 : i32
      %dma_wait3A_469 = tpu.memref_slice %arg7[%dma_wait3A_466, %dma_wait3A_467, %dma_wait3A_468] : memref<16x8x64xf32, #tpu.memory_space<vmem>> -> memref<1x8x64xf32, #tpu.memory_space<vmem>>
      %dma_wait3A_470 = tpu.memref_squeeze %dma_wait3A_469 : memref<1x8x64xf32, #tpu.memory_space<vmem>> -> memref<8x64xf32, #tpu.memory_space<vmem>>
      %dma_wait3A_471 = arith.constant 0 : i32
      %dma_wait3A_472 = arith.constant 0 : i32
      %dma_wait3A_473 = tpu.memref_slice %arg3[%dma_wait3A_471, %dma_wait3A_472] : memref<1000000x64xf32, #tpu.memory_space<hbm>> -> memref<8x64xf32, #tpu.memory_space<hbm>>
      %dma_wait3A_474 = arith.constant 0 : i32
      %dma_wait3A_475 = arith.constant 0 : i32
      %dma_wait3A_476 = tpu.memref_slice %arg7[%dma_wait3A_466, %dma_wait3A_474, %dma_wait3A_475] : memref<16x8x64xf32, #tpu.memory_space<vmem>> -> memref<1x8x64xf32, #tpu.memory_space<vmem>>
      %dma_wait3A_477 = tpu.memref_squeeze %dma_wait3A_476 : memref<1x8x64xf32, #tpu.memory_space<vmem>> -> memref<8x64xf32, #tpu.memory_space<vmem>>
      %dma_wait3A_478 = arith.constant 0 : i32
      %dma_wait3A_479 = arith.constant 0 : i32
      %dma_wait3A_480 = tpu.memref_slice %arg3[%dma_wait3A_478, %dma_wait3A_479] : memref<1000000x64xf32, #tpu.memory_space<hbm>> -> memref<8x64xf32, #tpu.memory_space<hbm>>
      tpu.wait_dma2 semaphore(%arg9 : memref<!tpu.dma_semaphore, #tpu.memory_space<semaphore_mem>>) src(%dma_wait3A_480 : memref<8x64xf32, #tpu.memory_space<hbm>>) dst(%dma_wait3A_477 : memref<8x64xf32, #tpu.memory_space<vmem>>)
      %dma_wait3A_481 = arith.constant 13 : i32
      %dma_wait3A_482 = arith.constant 0 : i32
      %dma_wait3A_483 = arith.constant 0 : i32
      %dma_wait3A_484 = tpu.memref_slice %arg7[%dma_wait3A_481, %dma_wait3A_482, %dma_wait3A_483] : memref<16x8x64xf32, #tpu.memory_space<vmem>> -> memref<1x8x64xf32, #tpu.memory_space<vmem>>
      %dma_wait3A_485 = tpu.memref_squeeze %dma_wait3A_484 : memref<1x8x64xf32, #tpu.memory_space<vmem>> -> memref<8x64xf32, #tpu.memory_space<vmem>>
      %dma_wait3A_486 = arith.constant 0 : i32
      %dma_wait3A_487 = arith.constant 0 : i32
      %dma_wait3A_488 = tpu.memref_slice %arg3[%dma_wait3A_486, %dma_wait3A_487] : memref<1000000x64xf32, #tpu.memory_space<hbm>> -> memref<8x64xf32, #tpu.memory_space<hbm>>
      %dma_wait3A_489 = arith.constant 0 : i32
      %dma_wait3A_490 = arith.constant 0 : i32
      %dma_wait3A_491 = tpu.memref_slice %arg7[%dma_wait3A_481, %dma_wait3A_489, %dma_wait3A_490] : memref<16x8x64xf32, #tpu.memory_space<vmem>> -> memref<1x8x64xf32, #tpu.memory_space<vmem>>
      %dma_wait3A_492 = tpu.memref_squeeze %dma_wait3A_491 : memref<1x8x64xf32, #tpu.memory_space<vmem>> -> memref<8x64xf32, #tpu.memory_space<vmem>>
      %dma_wait3A_493 = arith.constant 0 : i32
      %dma_wait3A_494 = arith.constant 0 : i32
      %dma_wait3A_495 = tpu.memref_slice %arg3[%dma_wait3A_493, %dma_wait3A_494] : memref<1000000x64xf32, #tpu.memory_space<hbm>> -> memref<8x64xf32, #tpu.memory_space<hbm>>
      tpu.wait_dma2 semaphore(%arg9 : memref<!tpu.dma_semaphore, #tpu.memory_space<semaphore_mem>>) src(%dma_wait3A_495 : memref<8x64xf32, #tpu.memory_space<hbm>>) dst(%dma_wait3A_492 : memref<8x64xf32, #tpu.memory_space<vmem>>)
      %dma_wait3A_496 = arith.constant 14 : i32
      %dma_wait3A_497 = arith.constant 0 : i32
      %dma_wait3A_498 = arith.constant 0 : i32
      %dma_wait3A_499 = tpu.memref_slice %arg7[%dma_wait3A_496, %dma_wait3A_497, %dma_wait3A_498] : memref<16x8x64xf32, #tpu.memory_space<vmem>> -> memref<1x8x64xf32, #tpu.memory_space<vmem>>
      %dma_wait3A_500 = tpu.memref_squeeze %dma_wait3A_499 : memref<1x8x64xf32, #tpu.memory_space<vmem>> -> memref<8x64xf32, #tpu.memory_space<vmem>>
      %dma_wait3A_501 = arith.constant 0 : i32
      %dma_wait3A_502 = arith.constant 0 : i32
      %dma_wait3A_503 = tpu.memref_slice %arg3[%dma_wait3A_501, %dma_wait3A_502] : memref<1000000x64xf32, #tpu.memory_space<hbm>> -> memref<8x64xf32, #tpu.memory_space<hbm>>
      %dma_wait3A_504 = arith.constant 0 : i32
      %dma_wait3A_505 = arith.constant 0 : i32
      %dma_wait3A_506 = tpu.memref_slice %arg7[%dma_wait3A_496, %dma_wait3A_504, %dma_wait3A_505] : memref<16x8x64xf32, #tpu.memory_space<vmem>> -> memref<1x8x64xf32, #tpu.memory_space<vmem>>
      %dma_wait3A_507 = tpu.memref_squeeze %dma_wait3A_506 : memref<1x8x64xf32, #tpu.memory_space<vmem>> -> memref<8x64xf32, #tpu.memory_space<vmem>>
      %dma_wait3A_508 = arith.constant 0 : i32
      %dma_wait3A_509 = arith.constant 0 : i32
      %dma_wait3A_510 = tpu.memref_slice %arg3[%dma_wait3A_508, %dma_wait3A_509] : memref<1000000x64xf32, #tpu.memory_space<hbm>> -> memref<8x64xf32, #tpu.memory_space<hbm>>
      tpu.wait_dma2 semaphore(%arg9 : memref<!tpu.dma_semaphore, #tpu.memory_space<semaphore_mem>>) src(%dma_wait3A_510 : memref<8x64xf32, #tpu.memory_space<hbm>>) dst(%dma_wait3A_507 : memref<8x64xf32, #tpu.memory_space<vmem>>)
      %dma_wait3A_511 = arith.constant 15 : i32
      %dma_wait3A_512 = arith.constant 0 : i32
      %dma_wait3A_513 = arith.constant 0 : i32
      %dma_wait3A_514 = tpu.memref_slice %arg7[%dma_wait3A_511, %dma_wait3A_512, %dma_wait3A_513] : memref<16x8x64xf32, #tpu.memory_space<vmem>> -> memref<1x8x64xf32, #tpu.memory_space<vmem>>
      %dma_wait3A_515 = tpu.memref_squeeze %dma_wait3A_514 : memref<1x8x64xf32, #tpu.memory_space<vmem>> -> memref<8x64xf32, #tpu.memory_space<vmem>>
      %dma_wait3A_516 = arith.constant 0 : i32
      %dma_wait3A_517 = arith.constant 0 : i32
      %dma_wait3A_518 = tpu.memref_slice %arg3[%dma_wait3A_516, %dma_wait3A_517] : memref<1000000x64xf32, #tpu.memory_space<hbm>> -> memref<8x64xf32, #tpu.memory_space<hbm>>
      %dma_wait3A_519 = arith.constant 0 : i32
      %dma_wait3A_520 = arith.constant 0 : i32
      %dma_wait3A_521 = tpu.memref_slice %arg7[%dma_wait3A_511, %dma_wait3A_519, %dma_wait3A_520] : memref<16x8x64xf32, #tpu.memory_space<vmem>> -> memref<1x8x64xf32, #tpu.memory_space<vmem>>
      %dma_wait3A_522 = tpu.memref_squeeze %dma_wait3A_521 : memref<1x8x64xf32, #tpu.memory_space<vmem>> -> memref<8x64xf32, #tpu.memory_space<vmem>>
      %dma_wait3A_523 = arith.constant 0 : i32
      %dma_wait3A_524 = arith.constant 0 : i32
      %dma_wait3A_525 = tpu.memref_slice %arg3[%dma_wait3A_523, %dma_wait3A_524] : memref<1000000x64xf32, #tpu.memory_space<hbm>> -> memref<8x64xf32, #tpu.memory_space<hbm>>
      tpu.wait_dma2 semaphore(%arg9 : memref<!tpu.dma_semaphore, #tpu.memory_space<semaphore_mem>>) src(%dma_wait3A_525 : memref<8x64xf32, #tpu.memory_space<hbm>>) dst(%dma_wait3A_522 : memref<8x64xf32, #tpu.memory_space<vmem>>)
      %slice3A_526 = vector.extract_strided_slice %get3A_15 {offsets = [0], sizes = [1], strides = [1]} : vector<16xi32> to vector<1xi32>
      %squeeze3A_527 = vector.extract %slice3A_526[0] : i32 from vector<1xi32>
      %and3A = arith.constant 7 : i32
      %and3A_528 = arith.andi %squeeze3A_527, %and3A : i32
      %mul3A_529 = arith.constant 16 : i32
      %mul3A_530 = arith.muli %scan3A_10, %mul3A_529 : i32
      %add3A_531 = arith.constant 0 : i32
      %add3A_532 = arith.addi %mul3A_530, %add3A_531 : i32
      %get3A_533 = arith.constant 0 : i32
      %get3A_534 = arith.index_cast %get3A_533 : i32 to index
      %get3A_535 = arith.index_cast %and3A_528 : i32 to index
      %get3A_536 = arith.constant 0 : index
      %get3A_537 = tpu.vector_load %arg7[%get3A_534, %get3A_535, %get3A_536] {strides = array<i32>} : memref<16x8x64xf32, #tpu.memory_space<vmem>>, vector<16xf32>,
      %add3A_538 = arith.constant 0 : i32
      %add3A_539 = vector.broadcast %add3A_538 : i32 to vector<16xi32>
      %add3A_540 = arith.addi %add3A_539, %iota3A : vector<16xi32>
      %add3A_541 = vector.broadcast %add3A_532 : i32 to vector<16xi32>
      %add3A_542 = arith.addi %broadcast_in_dim3A_1, %add3A_541 : vector<16xi32>
      tpu.vector_store_idx %arg8[%add3A_540, %add3A_542], %get3A_537 : memref<64x512xf32, #tpu.memory_space<vmem>>[vector<16xi32>, vector<16xi32>], vector<16xf32>,
      %get3A_543 = arith.constant 0 : i32
      %get3A_544 = arith.index_cast %get3A_543 : i32 to index
      %get3A_545 = arith.index_cast %and3A_528 : i32 to index
      %get3A_546 = arith.constant 16 : index
      %get3A_547 = tpu.vector_load %arg7[%get3A_544, %get3A_545, %get3A_546] {strides = array<i32>} : memref<16x8x64xf32, #tpu.memory_space<vmem>>, vector<16xf32>,
      %add3A_548 = arith.constant 16 : i32
      %add3A_549 = vector.broadcast %add3A_548 : i32 to vector<16xi32>
      %add3A_550 = arith.addi %add3A_549, %iota3A : vector<16xi32>
      %add3A_551 = vector.broadcast %add3A_532 : i32 to vector<16xi32>
      %add3A_552 = arith.addi %broadcast_in_dim3A_1, %add3A_551 : vector<16xi32>
      tpu.vector_store_idx %arg8[%add3A_550, %add3A_552], %get3A_547 : memref<64x512xf32, #tpu.memory_space<vmem>>[vector<16xi32>, vector<16xi32>], vector<16xf32>,
      %get3A_553 = arith.constant 0 : i32
      %get3A_554 = arith.index_cast %get3A_553 : i32 to index
      %get3A_555 = arith.index_cast %and3A_528 : i32 to index
      %get3A_556 = arith.constant 32 : index
      %get3A_557 = tpu.vector_load %arg7[%get3A_554, %get3A_555, %get3A_556] {strides = array<i32>} : memref<16x8x64xf32, #tpu.memory_space<vmem>>, vector<16xf32>,
      %add3A_558 = arith.constant 32 : i32
      %add3A_559 = vector.broadcast %add3A_558 : i32 to vector<16xi32>
      %add3A_560 = arith.addi %add3A_559, %iota3A : vector<16xi32>
      %add3A_561 = vector.broadcast %add3A_532 : i32 to vector<16xi32>
      %add3A_562 = arith.addi %broadcast_in_dim3A_1, %add3A_561 : vector<16xi32>
      tpu.vector_store_idx %arg8[%add3A_560, %add3A_562], %get3A_557 : memref<64x512xf32, #tpu.memory_space<vmem>>[vector<16xi32>, vector<16xi32>], vector<16xf32>,
      %get3A_563 = arith.constant 0 : i32
      %get3A_564 = arith.index_cast %get3A_563 : i32 to index
      %get3A_565 = arith.index_cast %and3A_528 : i32 to index
      %get3A_566 = arith.constant 48 : index
      %get3A_567 = tpu.vector_load %arg7[%get3A_564, %get3A_565, %get3A_566] {strides = array<i32>} : memref<16x8x64xf32, #tpu.memory_space<vmem>>, vector<16xf32>,
      %add3A_568 = arith.constant 48 : i32
      %add3A_569 = vector.broadcast %add3A_568 : i32 to vector<16xi32>
      %add3A_570 = arith.addi %add3A_569, %iota3A : vector<16xi32>
      %add3A_571 = vector.broadcast %add3A_532 : i32 to vector<16xi32>
      %add3A_572 = arith.addi %broadcast_in_dim3A_1, %add3A_571 : vector<16xi32>
      tpu.vector_store_idx %arg8[%add3A_570, %add3A_572], %get3A_567 : memref<64x512xf32, #tpu.memory_space<vmem>>[vector<16xi32>, vector<16xi32>], vector<16xf32>,
      %slice3A_573 = vector.extract_strided_slice %get3A_15 {offsets = [1], sizes = [1], strides = [1]} : vector<16xi32> to vector<1xi32>
      %squeeze3A_574 = vector.extract %slice3A_573[0] : i32 from vector<1xi32>
      %and3A_575 = arith.constant 7 : i32
      %and3A_576 = arith.andi %squeeze3A_574, %and3A_575 : i32
      %mul3A_577 = arith.constant 16 : i32
      %mul3A_578 = arith.muli %scan3A_10, %mul3A_577 : i32
      %add3A_579 = arith.constant 1 : i32
      %add3A_580 = arith.addi %mul3A_578, %add3A_579 : i32
      %get3A_581 = arith.constant 1 : i32
      %get3A_582 = arith.index_cast %get3A_581 : i32 to index
      %get3A_583 = arith.index_cast %and3A_576 : i32 to index
      %get3A_584 = arith.constant 0 : index
      %get3A_585 = tpu.vector_load %arg7[%get3A_582, %get3A_583, %get3A_584] {strides = array<i32>} : memref<16x8x64xf32, #tpu.memory_space<vmem>>, vector<16xf32>,
      %add3A_586 = arith.constant 0 : i32
      %add3A_587 = vector.broadcast %add3A_586 : i32 to vector<16xi32>
      %add3A_588 = arith.addi %add3A_587, %iota3A : vector<16xi32>
      %add3A_589 = vector.broadcast %add3A_580 : i32 to vector<16xi32>
      %add3A_590 = arith.addi %broadcast_in_dim3A_1, %add3A_589 : vector<16xi32>
      tpu.vector_store_idx %arg8[%add3A_588, %add3A_590], %get3A_585 : memref<64x512xf32, #tpu.memory_space<vmem>>[vector<16xi32>, vector<16xi32>], vector<16xf32>,
      %get3A_591 = arith.constant 1 : i32
      %get3A_592 = arith.index_cast %get3A_591 : i32 to index
      %get3A_593 = arith.index_cast %and3A_576 : i32 to index
      %get3A_594 = arith.constant 16 : index
      %get3A_595 = tpu.vector_load %arg7[%get3A_592, %get3A_593, %get3A_594] {strides = array<i32>} : memref<16x8x64xf32, #tpu.memory_space<vmem>>, vector<16xf32>,
      %add3A_596 = arith.constant 16 : i32
      %add3A_597 = vector.broadcast %add3A_596 : i32 to vector<16xi32>
      %add3A_598 = arith.addi %add3A_597, %iota3A : vector<16xi32>
      %add3A_599 = vector.broadcast %add3A_580 : i32 to vector<16xi32>
      %add3A_600 = arith.addi %broadcast_in_dim3A_1, %add3A_599 : vector<16xi32>
      tpu.vector_store_idx %arg8[%add3A_598, %add3A_600], %get3A_595 : memref<64x512xf32, #tpu.memory_space<vmem>>[vector<16xi32>, vector<16xi32>], vector<16xf32>,
      %get3A_601 = arith.constant 1 : i32
      %get3A_602 = arith.index_cast %get3A_601 : i32 to index
      %get3A_603 = arith.index_cast %and3A_576 : i32 to index
      %get3A_604 = arith.constant 32 : index
      %get3A_605 = tpu.vector_load %arg7[%get3A_602, %get3A_603, %get3A_604] {strides = array<i32>} : memref<16x8x64xf32, #tpu.memory_space<vmem>>, vector<16xf32>,
      %add3A_606 = arith.constant 32 : i32
      %add3A_607 = vector.broadcast %add3A_606 : i32 to vector<16xi32>
      %add3A_608 = arith.addi %add3A_607, %iota3A : vector<16xi32>
      %add3A_609 = vector.broadcast %add3A_580 : i32 to vector<16xi32>
      %add3A_610 = arith.addi %broadcast_in_dim3A_1, %add3A_609 : vector<16xi32>
      tpu.vector_store_idx %arg8[%add3A_608, %add3A_610], %get3A_605 : memref<64x512xf32, #tpu.memory_space<vmem>>[vector<16xi32>, vector<16xi32>], vector<16xf32>,
      %get3A_611 = arith.constant 1 : i32
      %get3A_612 = arith.index_cast %get3A_611 : i32 to index
      %get3A_613 = arith.index_cast %and3A_576 : i32 to index
      %get3A_614 = arith.constant 48 : index
      %get3A_615 = tpu.vector_load %arg7[%get3A_612, %get3A_613, %get3A_614] {strides = array<i32>} : memref<16x8x64xf32, #tpu.memory_space<vmem>>, vector<16xf32>,
      %add3A_616 = arith.constant 48 : i32
      %add3A_617 = vector.broadcast %add3A_616 : i32 to vector<16xi32>
      %add3A_618 = arith.addi %add3A_617, %iota3A : vector<16xi32>
      %add3A_619 = vector.broadcast %add3A_580 : i32 to vector<16xi32>
      %add3A_620 = arith.addi %broadcast_in_dim3A_1, %add3A_619 : vector<16xi32>
      tpu.vector_store_idx %arg8[%add3A_618, %add3A_620], %get3A_615 : memref<64x512xf32, #tpu.memory_space<vmem>>[vector<16xi32>, vector<16xi32>], vector<16xf32>,
      %slice3A_621 = vector.extract_strided_slice %get3A_15 {offsets = [2], sizes = [1], strides = [1]} : vector<16xi32> to vector<1xi32>
      %squeeze3A_622 = vector.extract %slice3A_621[0] : i32 from vector<1xi32>
      %and3A_623 = arith.constant 7 : i32
      %and3A_624 = arith.andi %squeeze3A_622, %and3A_623 : i32
      %mul3A_625 = arith.constant 16 : i32
      %mul3A_626 = arith.muli %scan3A_10, %mul3A_625 : i32
      %add3A_627 = arith.constant 2 : i32
      %add3A_628 = arith.addi %mul3A_626, %add3A_627 : i32
      %get3A_629 = arith.constant 2 : i32
      %get3A_630 = arith.index_cast %get3A_629 : i32 to index
      %get3A_631 = arith.index_cast %and3A_624 : i32 to index
      %get3A_632 = arith.constant 0 : index
      %get3A_633 = tpu.vector_load %arg7[%get3A_630, %get3A_631, %get3A_632] {strides = array<i32>} : memref<16x8x64xf32, #tpu.memory_space<vmem>>, vector<16xf32>,
      %add3A_634 = arith.constant 0 : i32
      %add3A_635 = vector.broadcast %add3A_634 : i32 to vector<16xi32>
      %add3A_636 = arith.addi %add3A_635, %iota3A : vector<16xi32>
      %add3A_637 = vector.broadcast %add3A_628 : i32 to vector<16xi32>
      %add3A_638 = arith.addi %broadcast_in_dim3A_1, %add3A_637 : vector<16xi32>
      tpu.vector_store_idx %arg8[%add3A_636, %add3A_638], %get3A_633 : memref<64x512xf32, #tpu.memory_space<vmem>>[vector<16xi32>, vector<16xi32>], vector<16xf32>,
      %get3A_639 = arith.constant 2 : i32
      %get3A_640 = arith.index_cast %get3A_639 : i32 to index
      %get3A_641 = arith.index_cast %and3A_624 : i32 to index
      %get3A_642 = arith.constant 16 : index
      %get3A_643 = tpu.vector_load %arg7[%get3A_640, %get3A_641, %get3A_642] {strides = array<i32>} : memref<16x8x64xf32, #tpu.memory_space<vmem>>, vector<16xf32>,
      %add3A_644 = arith.constant 16 : i32
      %add3A_645 = vector.broadcast %add3A_644 : i32 to vector<16xi32>
      %add3A_646 = arith.addi %add3A_645, %iota3A : vector<16xi32>
      %add3A_647 = vector.broadcast %add3A_628 : i32 to vector<16xi32>
      %add3A_648 = arith.addi %broadcast_in_dim3A_1, %add3A_647 : vector<16xi32>
      tpu.vector_store_idx %arg8[%add3A_646, %add3A_648], %get3A_643 : memref<64x512xf32, #tpu.memory_space<vmem>>[vector<16xi32>, vector<16xi32>], vector<16xf32>,
      %get3A_649 = arith.constant 2 : i32
      %get3A_650 = arith.index_cast %get3A_649 : i32 to index
      %get3A_651 = arith.index_cast %and3A_624 : i32 to index
      %get3A_652 = arith.constant 32 : index
      %get3A_653 = tpu.vector_load %arg7[%get3A_650, %get3A_651, %get3A_652] {strides = array<i32>} : memref<16x8x64xf32, #tpu.memory_space<vmem>>, vector<16xf32>,
      %add3A_654 = arith.constant 32 : i32
      %add3A_655 = vector.broadcast %add3A_654 : i32 to vector<16xi32>
      %add3A_656 = arith.addi %add3A_655, %iota3A : vector<16xi32>
      %add3A_657 = vector.broadcast %add3A_628 : i32 to vector<16xi32>
      %add3A_658 = arith.addi %broadcast_in_dim3A_1, %add3A_657 : vector<16xi32>
      tpu.vector_store_idx %arg8[%add3A_656, %add3A_658], %get3A_653 : memref<64x512xf32, #tpu.memory_space<vmem>>[vector<16xi32>, vector<16xi32>], vector<16xf32>,
      %get3A_659 = arith.constant 2 : i32
      %get3A_660 = arith.index_cast %get3A_659 : i32 to index
      %get3A_661 = arith.index_cast %and3A_624 : i32 to index
      %get3A_662 = arith.constant 48 : index
      %get3A_663 = tpu.vector_load %arg7[%get3A_660, %get3A_661, %get3A_662] {strides = array<i32>} : memref<16x8x64xf32, #tpu.memory_space<vmem>>, vector<16xf32>,
      %add3A_664 = arith.constant 48 : i32
      %add3A_665 = vector.broadcast %add3A_664 : i32 to vector<16xi32>
      %add3A_666 = arith.addi %add3A_665, %iota3A : vector<16xi32>
      %add3A_667 = vector.broadcast %add3A_628 : i32 to vector<16xi32>
      %add3A_668 = arith.addi %broadcast_in_dim3A_1, %add3A_667 : vector<16xi32>
      tpu.vector_store_idx %arg8[%add3A_666, %add3A_668], %get3A_663 : memref<64x512xf32, #tpu.memory_space<vmem>>[vector<16xi32>, vector<16xi32>], vector<16xf32>,
      %slice3A_669 = vector.extract_strided_slice %get3A_15 {offsets = [3], sizes = [1], strides = [1]} : vector<16xi32> to vector<1xi32>
      %squeeze3A_670 = vector.extract %slice3A_669[0] : i32 from vector<1xi32>
      %and3A_671 = arith.constant 7 : i32
      %and3A_672 = arith.andi %squeeze3A_670, %and3A_671 : i32
      %mul3A_673 = arith.constant 16 : i32
      %mul3A_674 = arith.muli %scan3A_10, %mul3A_673 : i32
      %add3A_675 = arith.constant 3 : i32
      %add3A_676 = arith.addi %mul3A_674, %add3A_675 : i32
      %get3A_677 = arith.constant 3 : i32
      %get3A_678 = arith.index_cast %get3A_677 : i32 to index
      %get3A_679 = arith.index_cast %and3A_672 : i32 to index
      %get3A_680 = arith.constant 0 : index
      %get3A_681 = tpu.vector_load %arg7[%get3A_678, %get3A_679, %get3A_680] {strides = array<i32>} : memref<16x8x64xf32, #tpu.memory_space<vmem>>, vector<16xf32>,
      %add3A_682 = arith.constant 0 : i32
      %add3A_683 = vector.broadcast %add3A_682 : i32 to vector<16xi32>
      %add3A_684 = arith.addi %add3A_683, %iota3A : vector<16xi32>
      %add3A_685 = vector.broadcast %add3A_676 : i32 to vector<16xi32>
      %add3A_686 = arith.addi %broadcast_in_dim3A_1, %add3A_685 : vector<16xi32>
      tpu.vector_store_idx %arg8[%add3A_684, %add3A_686], %get3A_681 : memref<64x512xf32, #tpu.memory_space<vmem>>[vector<16xi32>, vector<16xi32>], vector<16xf32>,
      %get3A_687 = arith.constant 3 : i32
      %get3A_688 = arith.index_cast %get3A_687 : i32 to index
      %get3A_689 = arith.index_cast %and3A_672 : i32 to index
      %get3A_690 = arith.constant 16 : index
      %get3A_691 = tpu.vector_load %arg7[%get3A_688, %get3A_689, %get3A_690] {strides = array<i32>} : memref<16x8x64xf32, #tpu.memory_space<vmem>>, vector<16xf32>,
      %add3A_692 = arith.constant 16 : i32
      %add3A_693 = vector.broadcast %add3A_692 : i32 to vector<16xi32>
      %add3A_694 = arith.addi %add3A_693, %iota3A : vector<16xi32>
      %add3A_695 = vector.broadcast %add3A_676 : i32 to vector<16xi32>
      %add3A_696 = arith.addi %broadcast_in_dim3A_1, %add3A_695 : vector<16xi32>
      tpu.vector_store_idx %arg8[%add3A_694, %add3A_696], %get3A_691 : memref<64x512xf32, #tpu.memory_space<vmem>>[vector<16xi32>, vector<16xi32>], vector<16xf32>,
      %get3A_697 = arith.constant 3 : i32
      %get3A_698 = arith.index_cast %get3A_697 : i32 to index
      %get3A_699 = arith.index_cast %and3A_672 : i32 to index
      %get3A_700 = arith.constant 32 : index
      %get3A_701 = tpu.vector_load %arg7[%get3A_698, %get3A_699, %get3A_700] {strides = array<i32>} : memref<16x8x64xf32, #tpu.memory_space<vmem>>, vector<16xf32>,
      %add3A_702 = arith.constant 32 : i32
      %add3A_703 = vector.broadcast %add3A_702 : i32 to vector<16xi32>
      %add3A_704 = arith.addi %add3A_703, %iota3A : vector<16xi32>
      %add3A_705 = vector.broadcast %add3A_676 : i32 to vector<16xi32>
      %add3A_706 = arith.addi %broadcast_in_dim3A_1, %add3A_705 : vector<16xi32>
      tpu.vector_store_idx %arg8[%add3A_704, %add3A_706], %get3A_701 : memref<64x512xf32, #tpu.memory_space<vmem>>[vector<16xi32>, vector<16xi32>], vector<16xf32>,
      %get3A_707 = arith.constant 3 : i32
      %get3A_708 = arith.index_cast %get3A_707 : i32 to index
      %get3A_709 = arith.index_cast %and3A_672 : i32 to index
      %get3A_710 = arith.constant 48 : index
      %get3A_711 = tpu.vector_load %arg7[%get3A_708, %get3A_709, %get3A_710] {strides = array<i32>} : memref<16x8x64xf32, #tpu.memory_space<vmem>>, vector<16xf32>,
      %add3A_712 = arith.constant 48 : i32
      %add3A_713 = vector.broadcast %add3A_712 : i32 to vector<16xi32>
      %add3A_714 = arith.addi %add3A_713, %iota3A : vector<16xi32>
      %add3A_715 = vector.broadcast %add3A_676 : i32 to vector<16xi32>
      %add3A_716 = arith.addi %broadcast_in_dim3A_1, %add3A_715 : vector<16xi32>
      tpu.vector_store_idx %arg8[%add3A_714, %add3A_716], %get3A_711 : memref<64x512xf32, #tpu.memory_space<vmem>>[vector<16xi32>, vector<16xi32>], vector<16xf32>,
      %slice3A_717 = vector.extract_strided_slice %get3A_15 {offsets = [4], sizes = [1], strides = [1]} : vector<16xi32> to vector<1xi32>
      %squeeze3A_718 = vector.extract %slice3A_717[0] : i32 from vector<1xi32>
      %and3A_719 = arith.constant 7 : i32
      %and3A_720 = arith.andi %squeeze3A_718, %and3A_719 : i32
      %mul3A_721 = arith.constant 16 : i32
      %mul3A_722 = arith.muli %scan3A_10, %mul3A_721 : i32
      %add3A_723 = arith.constant 4 : i32
      %add3A_724 = arith.addi %mul3A_722, %add3A_723 : i32
      %get3A_725 = arith.constant 4 : i32
      %get3A_726 = arith.index_cast %get3A_725 : i32 to index
      %get3A_727 = arith.index_cast %and3A_720 : i32 to index
      %get3A_728 = arith.constant 0 : index
      %get3A_729 = tpu.vector_load %arg7[%get3A_726, %get3A_727, %get3A_728] {strides = array<i32>} : memref<16x8x64xf32, #tpu.memory_space<vmem>>, vector<16xf32>,
      %add3A_730 = arith.constant 0 : i32
      %add3A_731 = vector.broadcast %add3A_730 : i32 to vector<16xi32>
      %add3A_732 = arith.addi %add3A_731, %iota3A : vector<16xi32>
      %add3A_733 = vector.broadcast %add3A_724 : i32 to vector<16xi32>
      %add3A_734 = arith.addi %broadcast_in_dim3A_1, %add3A_733 : vector<16xi32>
      tpu.vector_store_idx %arg8[%add3A_732, %add3A_734], %get3A_729 : memref<64x512xf32, #tpu.memory_space<vmem>>[vector<16xi32>, vector<16xi32>], vector<16xf32>,
      %get3A_735 = arith.constant 4 : i32
      %get3A_736 = arith.index_cast %get3A_735 : i32 to index
      %get3A_737 = arith.index_cast %and3A_720 : i32 to index
      %get3A_738 = arith.constant 16 : index
      %get3A_739 = tpu.vector_load %arg7[%get3A_736, %get3A_737, %get3A_738] {strides = array<i32>} : memref<16x8x64xf32, #tpu.memory_space<vmem>>, vector<16xf32>,
      %add3A_740 = arith.constant 16 : i32
      %add3A_741 = vector.broadcast %add3A_740 : i32 to vector<16xi32>
      %add3A_742 = arith.addi %add3A_741, %iota3A : vector<16xi32>
      %add3A_743 = vector.broadcast %add3A_724 : i32 to vector<16xi32>
      %add3A_744 = arith.addi %broadcast_in_dim3A_1, %add3A_743 : vector<16xi32>
      tpu.vector_store_idx %arg8[%add3A_742, %add3A_744], %get3A_739 : memref<64x512xf32, #tpu.memory_space<vmem>>[vector<16xi32>, vector<16xi32>], vector<16xf32>,
      %get3A_745 = arith.constant 4 : i32
      %get3A_746 = arith.index_cast %get3A_745 : i32 to index
      %get3A_747 = arith.index_cast %and3A_720 : i32 to index
      %get3A_748 = arith.constant 32 : index
      %get3A_749 = tpu.vector_load %arg7[%get3A_746, %get3A_747, %get3A_748] {strides = array<i32>} : memref<16x8x64xf32, #tpu.memory_space<vmem>>, vector<16xf32>,
      %add3A_750 = arith.constant 32 : i32
      %add3A_751 = vector.broadcast %add3A_750 : i32 to vector<16xi32>
      %add3A_752 = arith.addi %add3A_751, %iota3A : vector<16xi32>
      %add3A_753 = vector.broadcast %add3A_724 : i32 to vector<16xi32>
      %add3A_754 = arith.addi %broadcast_in_dim3A_1, %add3A_753 : vector<16xi32>
      tpu.vector_store_idx %arg8[%add3A_752, %add3A_754], %get3A_749 : memref<64x512xf32, #tpu.memory_space<vmem>>[vector<16xi32>, vector<16xi32>], vector<16xf32>,
      %get3A_755 = arith.constant 4 : i32
      %get3A_756 = arith.index_cast %get3A_755 : i32 to index
      %get3A_757 = arith.index_cast %and3A_720 : i32 to index
      %get3A_758 = arith.constant 48 : index
      %get3A_759 = tpu.vector_load %arg7[%get3A_756, %get3A_757, %get3A_758] {strides = array<i32>} : memref<16x8x64xf32, #tpu.memory_space<vmem>>, vector<16xf32>,
      %add3A_760 = arith.constant 48 : i32
      %add3A_761 = vector.broadcast %add3A_760 : i32 to vector<16xi32>
      %add3A_762 = arith.addi %add3A_761, %iota3A : vector<16xi32>
      %add3A_763 = vector.broadcast %add3A_724 : i32 to vector<16xi32>
      %add3A_764 = arith.addi %broadcast_in_dim3A_1, %add3A_763 : vector<16xi32>
      tpu.vector_store_idx %arg8[%add3A_762, %add3A_764], %get3A_759 : memref<64x512xf32, #tpu.memory_space<vmem>>[vector<16xi32>, vector<16xi32>], vector<16xf32>,
      %slice3A_765 = vector.extract_strided_slice %get3A_15 {offsets = [5], sizes = [1], strides = [1]} : vector<16xi32> to vector<1xi32>
      %squeeze3A_766 = vector.extract %slice3A_765[0] : i32 from vector<1xi32>
      %and3A_767 = arith.constant 7 : i32
      %and3A_768 = arith.andi %squeeze3A_766, %and3A_767 : i32
      %mul3A_769 = arith.constant 16 : i32
      %mul3A_770 = arith.muli %scan3A_10, %mul3A_769 : i32
      %add3A_771 = arith.constant 5 : i32
      %add3A_772 = arith.addi %mul3A_770, %add3A_771 : i32
      %get3A_773 = arith.constant 5 : i32
      %get3A_774 = arith.index_cast %get3A_773 : i32 to index
      %get3A_775 = arith.index_cast %and3A_768 : i32 to index
      %get3A_776 = arith.constant 0 : index
      %get3A_777 = tpu.vector_load %arg7[%get3A_774, %get3A_775, %get3A_776] {strides = array<i32>} : memref<16x8x64xf32, #tpu.memory_space<vmem>>, vector<16xf32>,
      %add3A_778 = arith.constant 0 : i32
      %add3A_779 = vector.broadcast %add3A_778 : i32 to vector<16xi32>
      %add3A_780 = arith.addi %add3A_779, %iota3A : vector<16xi32>
      %add3A_781 = vector.broadcast %add3A_772 : i32 to vector<16xi32>
      %add3A_782 = arith.addi %broadcast_in_dim3A_1, %add3A_781 : vector<16xi32>
      tpu.vector_store_idx %arg8[%add3A_780, %add3A_782], %get3A_777 : memref<64x512xf32, #tpu.memory_space<vmem>>[vector<16xi32>, vector<16xi32>], vector<16xf32>,
      %get3A_783 = arith.constant 5 : i32
      %get3A_784 = arith.index_cast %get3A_783 : i32 to index
      %get3A_785 = arith.index_cast %and3A_768 : i32 to index
      %get3A_786 = arith.constant 16 : index
      %get3A_787 = tpu.vector_load %arg7[%get3A_784, %get3A_785, %get3A_786] {strides = array<i32>} : memref<16x8x64xf32, #tpu.memory_space<vmem>>, vector<16xf32>,
      %add3A_788 = arith.constant 16 : i32
      %add3A_789 = vector.broadcast %add3A_788 : i32 to vector<16xi32>
      %add3A_790 = arith.addi %add3A_789, %iota3A : vector<16xi32>
      %add3A_791 = vector.broadcast %add3A_772 : i32 to vector<16xi32>
      %add3A_792 = arith.addi %broadcast_in_dim3A_1, %add3A_791 : vector<16xi32>
      tpu.vector_store_idx %arg8[%add3A_790, %add3A_792], %get3A_787 : memref<64x512xf32, #tpu.memory_space<vmem>>[vector<16xi32>, vector<16xi32>], vector<16xf32>,
      %get3A_793 = arith.constant 5 : i32
      %get3A_794 = arith.index_cast %get3A_793 : i32 to index
      %get3A_795 = arith.index_cast %and3A_768 : i32 to index
      %get3A_796 = arith.constant 32 : index
      %get3A_797 = tpu.vector_load %arg7[%get3A_794, %get3A_795, %get3A_796] {strides = array<i32>} : memref<16x8x64xf32, #tpu.memory_space<vmem>>, vector<16xf32>,
      %add3A_798 = arith.constant 32 : i32
      %add3A_799 = vector.broadcast %add3A_798 : i32 to vector<16xi32>
      %add3A_800 = arith.addi %add3A_799, %iota3A : vector<16xi32>
      %add3A_801 = vector.broadcast %add3A_772 : i32 to vector<16xi32>
      %add3A_802 = arith.addi %broadcast_in_dim3A_1, %add3A_801 : vector<16xi32>
      tpu.vector_store_idx %arg8[%add3A_800, %add3A_802], %get3A_797 : memref<64x512xf32, #tpu.memory_space<vmem>>[vector<16xi32>, vector<16xi32>], vector<16xf32>,
      %get3A_803 = arith.constant 5 : i32
      %get3A_804 = arith.index_cast %get3A_803 : i32 to index
      %get3A_805 = arith.index_cast %and3A_768 : i32 to index
      %get3A_806 = arith.constant 48 : index
      %get3A_807 = tpu.vector_load %arg7[%get3A_804, %get3A_805, %get3A_806] {strides = array<i32>} : memref<16x8x64xf32, #tpu.memory_space<vmem>>, vector<16xf32>,
      %add3A_808 = arith.constant 48 : i32
      %add3A_809 = vector.broadcast %add3A_808 : i32 to vector<16xi32>
      %add3A_810 = arith.addi %add3A_809, %iota3A : vector<16xi32>
      %add3A_811 = vector.broadcast %add3A_772 : i32 to vector<16xi32>
      %add3A_812 = arith.addi %broadcast_in_dim3A_1, %add3A_811 : vector<16xi32>
      tpu.vector_store_idx %arg8[%add3A_810, %add3A_812], %get3A_807 : memref<64x512xf32, #tpu.memory_space<vmem>>[vector<16xi32>, vector<16xi32>], vector<16xf32>,
      %slice3A_813 = vector.extract_strided_slice %get3A_15 {offsets = [6], sizes = [1], strides = [1]} : vector<16xi32> to vector<1xi32>
      %squeeze3A_814 = vector.extract %slice3A_813[0] : i32 from vector<1xi32>
      %and3A_815 = arith.constant 7 : i32
      %and3A_816 = arith.andi %squeeze3A_814, %and3A_815 : i32
      %mul3A_817 = arith.constant 16 : i32
      %mul3A_818 = arith.muli %scan3A_10, %mul3A_817 : i32
      %add3A_819 = arith.constant 6 : i32
      %add3A_820 = arith.addi %mul3A_818, %add3A_819 : i32
      %get3A_821 = arith.constant 6 : i32
      %get3A_822 = arith.index_cast %get3A_821 : i32 to index
      %get3A_823 = arith.index_cast %and3A_816 : i32 to index
      %get3A_824 = arith.constant 0 : index
      %get3A_825 = tpu.vector_load %arg7[%get3A_822, %get3A_823, %get3A_824] {strides = array<i32>} : memref<16x8x64xf32, #tpu.memory_space<vmem>>, vector<16xf32>,
      %add3A_826 = arith.constant 0 : i32
      %add3A_827 = vector.broadcast %add3A_826 : i32 to vector<16xi32>
      %add3A_828 = arith.addi %add3A_827, %iota3A : vector<16xi32>
      %add3A_829 = vector.broadcast %add3A_820 : i32 to vector<16xi32>
      %add3A_830 = arith.addi %broadcast_in_dim3A_1, %add3A_829 : vector<16xi32>
      tpu.vector_store_idx %arg8[%add3A_828, %add3A_830], %get3A_825 : memref<64x512xf32, #tpu.memory_space<vmem>>[vector<16xi32>, vector<16xi32>], vector<16xf32>,
      %get3A_831 = arith.constant 6 : i32
      %get3A_832 = arith.index_cast %get3A_831 : i32 to index
      %get3A_833 = arith.index_cast %and3A_816 : i32 to index
      %get3A_834 = arith.constant 16 : index
      %get3A_835 = tpu.vector_load %arg7[%get3A_832, %get3A_833, %get3A_834] {strides = array<i32>} : memref<16x8x64xf32, #tpu.memory_space<vmem>>, vector<16xf32>,
      %add3A_836 = arith.constant 16 : i32
      %add3A_837 = vector.broadcast %add3A_836 : i32 to vector<16xi32>
      %add3A_838 = arith.addi %add3A_837, %iota3A : vector<16xi32>
      %add3A_839 = vector.broadcast %add3A_820 : i32 to vector<16xi32>
      %add3A_840 = arith.addi %broadcast_in_dim3A_1, %add3A_839 : vector<16xi32>
      tpu.vector_store_idx %arg8[%add3A_838, %add3A_840], %get3A_835 : memref<64x512xf32, #tpu.memory_space<vmem>>[vector<16xi32>, vector<16xi32>], vector<16xf32>,
      %get3A_841 = arith.constant 6 : i32
      %get3A_842 = arith.index_cast %get3A_841 : i32 to index
      %get3A_843 = arith.index_cast %and3A_816 : i32 to index
      %get3A_844 = arith.constant 32 : index
      %get3A_845 = tpu.vector_load %arg7[%get3A_842, %get3A_843, %get3A_844] {strides = array<i32>} : memref<16x8x64xf32, #tpu.memory_space<vmem>>, vector<16xf32>,
      %add3A_846 = arith.constant 32 : i32
      %add3A_847 = vector.broadcast %add3A_846 : i32 to vector<16xi32>
      %add3A_848 = arith.addi %add3A_847, %iota3A : vector<16xi32>
      %add3A_849 = vector.broadcast %add3A_820 : i32 to vector<16xi32>
      %add3A_850 = arith.addi %broadcast_in_dim3A_1, %add3A_849 : vector<16xi32>
      tpu.vector_store_idx %arg8[%add3A_848, %add3A_850], %get3A_845 : memref<64x512xf32, #tpu.memory_space<vmem>>[vector<16xi32>, vector<16xi32>], vector<16xf32>,
      %get3A_851 = arith.constant 6 : i32
      %get3A_852 = arith.index_cast %get3A_851 : i32 to index
      %get3A_853 = arith.index_cast %and3A_816 : i32 to index
      %get3A_854 = arith.constant 48 : index
      %get3A_855 = tpu.vector_load %arg7[%get3A_852, %get3A_853, %get3A_854] {strides = array<i32>} : memref<16x8x64xf32, #tpu.memory_space<vmem>>, vector<16xf32>,
      %add3A_856 = arith.constant 48 : i32
      %add3A_857 = vector.broadcast %add3A_856 : i32 to vector<16xi32>
      %add3A_858 = arith.addi %add3A_857, %iota3A : vector<16xi32>
      %add3A_859 = vector.broadcast %add3A_820 : i32 to vector<16xi32>
      %add3A_860 = arith.addi %broadcast_in_dim3A_1, %add3A_859 : vector<16xi32>
      tpu.vector_store_idx %arg8[%add3A_858, %add3A_860], %get3A_855 : memref<64x512xf32, #tpu.memory_space<vmem>>[vector<16xi32>, vector<16xi32>], vector<16xf32>,
      %slice3A_861 = vector.extract_strided_slice %get3A_15 {offsets = [7], sizes = [1], strides = [1]} : vector<16xi32> to vector<1xi32>
      %squeeze3A_862 = vector.extract %slice3A_861[0] : i32 from vector<1xi32>
      %and3A_863 = arith.constant 7 : i32
      %and3A_864 = arith.andi %squeeze3A_862, %and3A_863 : i32
      %mul3A_865 = arith.constant 16 : i32
      %mul3A_866 = arith.muli %scan3A_10, %mul3A_865 : i32
      %add3A_867 = arith.constant 7 : i32
      %add3A_868 = arith.addi %mul3A_866, %add3A_867 : i32
      %get3A_869 = arith.constant 7 : i32
      %get3A_870 = arith.index_cast %get3A_869 : i32 to index
      %get3A_871 = arith.index_cast %and3A_864 : i32 to index
      %get3A_872 = arith.constant 0 : index
      %get3A_873 = tpu.vector_load %arg7[%get3A_870, %get3A_871, %get3A_872] {strides = array<i32>} : memref<16x8x64xf32, #tpu.memory_space<vmem>>, vector<16xf32>,
      %add3A_874 = arith.constant 0 : i32
      %add3A_875 = vector.broadcast %add3A_874 : i32 to vector<16xi32>
      %add3A_876 = arith.addi %add3A_875, %iota3A : vector<16xi32>
      %add3A_877 = vector.broadcast %add3A_868 : i32 to vector<16xi32>
      %add3A_878 = arith.addi %broadcast_in_dim3A_1, %add3A_877 : vector<16xi32>
      tpu.vector_store_idx %arg8[%add3A_876, %add3A_878], %get3A_873 : memref<64x512xf32, #tpu.memory_space<vmem>>[vector<16xi32>, vector<16xi32>], vector<16xf32>,
      %get3A_879 = arith.constant 7 : i32
      %get3A_880 = arith.index_cast %get3A_879 : i32 to index
      %get3A_881 = arith.index_cast %and3A_864 : i32 to index
      %get3A_882 = arith.constant 16 : index
      %get3A_883 = tpu.vector_load %arg7[%get3A_880, %get3A_881, %get3A_882] {strides = array<i32>} : memref<16x8x64xf32, #tpu.memory_space<vmem>>, vector<16xf32>,
      %add3A_884 = arith.constant 16 : i32
      %add3A_885 = vector.broadcast %add3A_884 : i32 to vector<16xi32>
      %add3A_886 = arith.addi %add3A_885, %iota3A : vector<16xi32>
      %add3A_887 = vector.broadcast %add3A_868 : i32 to vector<16xi32>
      %add3A_888 = arith.addi %broadcast_in_dim3A_1, %add3A_887 : vector<16xi32>
      tpu.vector_store_idx %arg8[%add3A_886, %add3A_888], %get3A_883 : memref<64x512xf32, #tpu.memory_space<vmem>>[vector<16xi32>, vector<16xi32>], vector<16xf32>,
      %get3A_889 = arith.constant 7 : i32
      %get3A_890 = arith.index_cast %get3A_889 : i32 to index
      %get3A_891 = arith.index_cast %and3A_864 : i32 to index
      %get3A_892 = arith.constant 32 : index
      %get3A_893 = tpu.vector_load %arg7[%get3A_890, %get3A_891, %get3A_892] {strides = array<i32>} : memref<16x8x64xf32, #tpu.memory_space<vmem>>, vector<16xf32>,
      %add3A_894 = arith.constant 32 : i32
      %add3A_895 = vector.broadcast %add3A_894 : i32 to vector<16xi32>
      %add3A_896 = arith.addi %add3A_895, %iota3A : vector<16xi32>
      %add3A_897 = vector.broadcast %add3A_868 : i32 to vector<16xi32>
      %add3A_898 = arith.addi %broadcast_in_dim3A_1, %add3A_897 : vector<16xi32>
      tpu.vector_store_idx %arg8[%add3A_896, %add3A_898], %get3A_893 : memref<64x512xf32, #tpu.memory_space<vmem>>[vector<16xi32>, vector<16xi32>], vector<16xf32>,
      %get3A_899 = arith.constant 7 : i32
      %get3A_900 = arith.index_cast %get3A_899 : i32 to index
      %get3A_901 = arith.index_cast %and3A_864 : i32 to index
      %get3A_902 = arith.constant 48 : index
      %get3A_903 = tpu.vector_load %arg7[%get3A_900, %get3A_901, %get3A_902] {strides = array<i32>} : memref<16x8x64xf32, #tpu.memory_space<vmem>>, vector<16xf32>,
      %add3A_904 = arith.constant 48 : i32
      %add3A_905 = vector.broadcast %add3A_904 : i32 to vector<16xi32>
      %add3A_906 = arith.addi %add3A_905, %iota3A : vector<16xi32>
      %add3A_907 = vector.broadcast %add3A_868 : i32 to vector<16xi32>
      %add3A_908 = arith.addi %broadcast_in_dim3A_1, %add3A_907 : vector<16xi32>
      tpu.vector_store_idx %arg8[%add3A_906, %add3A_908], %get3A_903 : memref<64x512xf32, #tpu.memory_space<vmem>>[vector<16xi32>, vector<16xi32>], vector<16xf32>,
      %slice3A_909 = vector.extract_strided_slice %get3A_15 {offsets = [8], sizes = [1], strides = [1]} : vector<16xi32> to vector<1xi32>
      %squeeze3A_910 = vector.extract %slice3A_909[0] : i32 from vector<1xi32>
      %and3A_911 = arith.constant 7 : i32
      %and3A_912 = arith.andi %squeeze3A_910, %and3A_911 : i32
      %mul3A_913 = arith.constant 16 : i32
      %mul3A_914 = arith.muli %scan3A_10, %mul3A_913 : i32
      %add3A_915 = arith.constant 8 : i32
      %add3A_916 = arith.addi %mul3A_914, %add3A_915 : i32
      %get3A_917 = arith.constant 8 : i32
      %get3A_918 = arith.index_cast %get3A_917 : i32 to index
      %get3A_919 = arith.index_cast %and3A_912 : i32 to index
      %get3A_920 = arith.constant 0 : index
      %get3A_921 = tpu.vector_load %arg7[%get3A_918, %get3A_919, %get3A_920] {strides = array<i32>} : memref<16x8x64xf32, #tpu.memory_space<vmem>>, vector<16xf32>,
      %add3A_922 = arith.constant 0 : i32
      %add3A_923 = vector.broadcast %add3A_922 : i32 to vector<16xi32>
      %add3A_924 = arith.addi %add3A_923, %iota3A : vector<16xi32>
      %add3A_925 = vector.broadcast %add3A_916 : i32 to vector<16xi32>
      %add3A_926 = arith.addi %broadcast_in_dim3A_1, %add3A_925 : vector<16xi32>
      tpu.vector_store_idx %arg8[%add3A_924, %add3A_926], %get3A_921 : memref<64x512xf32, #tpu.memory_space<vmem>>[vector<16xi32>, vector<16xi32>], vector<16xf32>,
      %get3A_927 = arith.constant 8 : i32
      %get3A_928 = arith.index_cast %get3A_927 : i32 to index
      %get3A_929 = arith.index_cast %and3A_912 : i32 to index
      %get3A_930 = arith.constant 16 : index
      %get3A_931 = tpu.vector_load %arg7[%get3A_928, %get3A_929, %get3A_930] {strides = array<i32>} : memref<16x8x64xf32, #tpu.memory_space<vmem>>, vector<16xf32>,
      %add3A_932 = arith.constant 16 : i32
      %add3A_933 = vector.broadcast %add3A_932 : i32 to vector<16xi32>
      %add3A_934 = arith.addi %add3A_933, %iota3A : vector<16xi32>
      %add3A_935 = vector.broadcast %add3A_916 : i32 to vector<16xi32>
      %add3A_936 = arith.addi %broadcast_in_dim3A_1, %add3A_935 : vector<16xi32>
      tpu.vector_store_idx %arg8[%add3A_934, %add3A_936], %get3A_931 : memref<64x512xf32, #tpu.memory_space<vmem>>[vector<16xi32>, vector<16xi32>], vector<16xf32>,
      %get3A_937 = arith.constant 8 : i32
      %get3A_938 = arith.index_cast %get3A_937 : i32 to index
      %get3A_939 = arith.index_cast %and3A_912 : i32 to index
      %get3A_940 = arith.constant 32 : index
      %get3A_941 = tpu.vector_load %arg7[%get3A_938, %get3A_939, %get3A_940] {strides = array<i32>} : memref<16x8x64xf32, #tpu.memory_space<vmem>>, vector<16xf32>,
      %add3A_942 = arith.constant 32 : i32
      %add3A_943 = vector.broadcast %add3A_942 : i32 to vector<16xi32>
      %add3A_944 = arith.addi %add3A_943, %iota3A : vector<16xi32>
      %add3A_945 = vector.broadcast %add3A_916 : i32 to vector<16xi32>
      %add3A_946 = arith.addi %broadcast_in_dim3A_1, %add3A_945 : vector<16xi32>
      tpu.vector_store_idx %arg8[%add3A_944, %add3A_946], %get3A_941 : memref<64x512xf32, #tpu.memory_space<vmem>>[vector<16xi32>, vector<16xi32>], vector<16xf32>,
      %get3A_947 = arith.constant 8 : i32
      %get3A_948 = arith.index_cast %get3A_947 : i32 to index
      %get3A_949 = arith.index_cast %and3A_912 : i32 to index
      %get3A_950 = arith.constant 48 : index
      %get3A_951 = tpu.vector_load %arg7[%get3A_948, %get3A_949, %get3A_950] {strides = array<i32>} : memref<16x8x64xf32, #tpu.memory_space<vmem>>, vector<16xf32>,
      %add3A_952 = arith.constant 48 : i32
      %add3A_953 = vector.broadcast %add3A_952 : i32 to vector<16xi32>
      %add3A_954 = arith.addi %add3A_953, %iota3A : vector<16xi32>
      %add3A_955 = vector.broadcast %add3A_916 : i32 to vector<16xi32>
      %add3A_956 = arith.addi %broadcast_in_dim3A_1, %add3A_955 : vector<16xi32>
      tpu.vector_store_idx %arg8[%add3A_954, %add3A_956], %get3A_951 : memref<64x512xf32, #tpu.memory_space<vmem>>[vector<16xi32>, vector<16xi32>], vector<16xf32>,
      %slice3A_957 = vector.extract_strided_slice %get3A_15 {offsets = [9], sizes = [1], strides = [1]} : vector<16xi32> to vector<1xi32>
      %squeeze3A_958 = vector.extract %slice3A_957[0] : i32 from vector<1xi32>
      %and3A_959 = arith.constant 7 : i32
      %and3A_960 = arith.andi %squeeze3A_958, %and3A_959 : i32
      %mul3A_961 = arith.constant 16 : i32
      %mul3A_962 = arith.muli %scan3A_10, %mul3A_961 : i32
      %add3A_963 = arith.constant 9 : i32
      %add3A_964 = arith.addi %mul3A_962, %add3A_963 : i32
      %get3A_965 = arith.constant 9 : i32
      %get3A_966 = arith.index_cast %get3A_965 : i32 to index
      %get3A_967 = arith.index_cast %and3A_960 : i32 to index
      %get3A_968 = arith.constant 0 : index
      %get3A_969 = tpu.vector_load %arg7[%get3A_966, %get3A_967, %get3A_968] {strides = array<i32>} : memref<16x8x64xf32, #tpu.memory_space<vmem>>, vector<16xf32>,
      %add3A_970 = arith.constant 0 : i32
      %add3A_971 = vector.broadcast %add3A_970 : i32 to vector<16xi32>
      %add3A_972 = arith.addi %add3A_971, %iota3A : vector<16xi32>
      %add3A_973 = vector.broadcast %add3A_964 : i32 to vector<16xi32>
      %add3A_974 = arith.addi %broadcast_in_dim3A_1, %add3A_973 : vector<16xi32>
      tpu.vector_store_idx %arg8[%add3A_972, %add3A_974], %get3A_969 : memref<64x512xf32, #tpu.memory_space<vmem>>[vector<16xi32>, vector<16xi32>], vector<16xf32>,
      %get3A_975 = arith.constant 9 : i32
      %get3A_976 = arith.index_cast %get3A_975 : i32 to index
      %get3A_977 = arith.index_cast %and3A_960 : i32 to index
      %get3A_978 = arith.constant 16 : index
      %get3A_979 = tpu.vector_load %arg7[%get3A_976, %get3A_977, %get3A_978] {strides = array<i32>} : memref<16x8x64xf32, #tpu.memory_space<vmem>>, vector<16xf32>,
      %add3A_980 = arith.constant 16 : i32
      %add3A_981 = vector.broadcast %add3A_980 : i32 to vector<16xi32>
      %add3A_982 = arith.addi %add3A_981, %iota3A : vector<16xi32>
      %add3A_983 = vector.broadcast %add3A_964 : i32 to vector<16xi32>
      %add3A_984 = arith.addi %broadcast_in_dim3A_1, %add3A_983 : vector<16xi32>
      tpu.vector_store_idx %arg8[%add3A_982, %add3A_984], %get3A_979 : memref<64x512xf32, #tpu.memory_space<vmem>>[vector<16xi32>, vector<16xi32>], vector<16xf32>,
      %get3A_985 = arith.constant 9 : i32
      %get3A_986 = arith.index_cast %get3A_985 : i32 to index
      %get3A_987 = arith.index_cast %and3A_960 : i32 to index
      %get3A_988 = arith.constant 32 : index
      %get3A_989 = tpu.vector_load %arg7[%get3A_986, %get3A_987, %get3A_988] {strides = array<i32>} : memref<16x8x64xf32, #tpu.memory_space<vmem>>, vector<16xf32>,
      %add3A_990 = arith.constant 32 : i32
      %add3A_991 = vector.broadcast %add3A_990 : i32 to vector<16xi32>
      %add3A_992 = arith.addi %add3A_991, %iota3A : vector<16xi32>
      %add3A_993 = vector.broadcast %add3A_964 : i32 to vector<16xi32>
      %add3A_994 = arith.addi %broadcast_in_dim3A_1, %add3A_993 : vector<16xi32>
      tpu.vector_store_idx %arg8[%add3A_992, %add3A_994], %get3A_989 : memref<64x512xf32, #tpu.memory_space<vmem>>[vector<16xi32>, vector<16xi32>], vector<16xf32>,
      %get3A_995 = arith.constant 9 : i32
      %get3A_996 = arith.index_cast %get3A_995 : i32 to index
      %get3A_997 = arith.index_cast %and3A_960 : i32 to index
      %get3A_998 = arith.constant 48 : index
      %get3A_999 = tpu.vector_load %arg7[%get3A_996, %get3A_997, %get3A_998] {strides = array<i32>} : memref<16x8x64xf32, #tpu.memory_space<vmem>>, vector<16xf32>,
      %add3A_1000 = arith.constant 48 : i32
      %add3A_1001 = vector.broadcast %add3A_1000 : i32 to vector<16xi32>
      %add3A_1002 = arith.addi %add3A_1001, %iota3A : vector<16xi32>
      %add3A_1003 = vector.broadcast %add3A_964 : i32 to vector<16xi32>
      %add3A_1004 = arith.addi %broadcast_in_dim3A_1, %add3A_1003 : vector<16xi32>
      tpu.vector_store_idx %arg8[%add3A_1002, %add3A_1004], %get3A_999 : memref<64x512xf32, #tpu.memory_space<vmem>>[vector<16xi32>, vector<16xi32>], vector<16xf32>,
      %slice3A_1005 = vector.extract_strided_slice %get3A_15 {offsets = [10], sizes = [1], strides = [1]} : vector<16xi32> to vector<1xi32>
      %squeeze3A_1006 = vector.extract %slice3A_1005[0] : i32 from vector<1xi32>
      %and3A_1007 = arith.constant 7 : i32
      %and3A_1008 = arith.andi %squeeze3A_1006, %and3A_1007 : i32
      %mul3A_1009 = arith.constant 16 : i32
      %mul3A_1010 = arith.muli %scan3A_10, %mul3A_1009 : i32
      %add3A_1011 = arith.constant 10 : i32
      %add3A_1012 = arith.addi %mul3A_1010, %add3A_1011 : i32
      %get3A_1013 = arith.constant 10 : i32
      %get3A_1014 = arith.index_cast %get3A_1013 : i32 to index
      %get3A_1015 = arith.index_cast %and3A_1008 : i32 to index
      %get3A_1016 = arith.constant 0 : index
      %get3A_1017 = tpu.vector_load %arg7[%get3A_1014, %get3A_1015, %get3A_1016] {strides = array<i32>} : memref<16x8x64xf32, #tpu.memory_space<vmem>>, vector<16xf32>,
      %add3A_1018 = arith.constant 0 : i32
      %add3A_1019 = vector.broadcast %add3A_1018 : i32 to vector<16xi32>
      %add3A_1020 = arith.addi %add3A_1019, %iota3A : vector<16xi32>
      %add3A_1021 = vector.broadcast %add3A_1012 : i32 to vector<16xi32>
      %add3A_1022 = arith.addi %broadcast_in_dim3A_1, %add3A_1021 : vector<16xi32>
      tpu.vector_store_idx %arg8[%add3A_1020, %add3A_1022], %get3A_1017 : memref<64x512xf32, #tpu.memory_space<vmem>>[vector<16xi32>, vector<16xi32>], vector<16xf32>,
      %get3A_1023 = arith.constant 10 : i32
      %get3A_1024 = arith.index_cast %get3A_1023 : i32 to index
      %get3A_1025 = arith.index_cast %and3A_1008 : i32 to index
      %get3A_1026 = arith.constant 16 : index
      %get3A_1027 = tpu.vector_load %arg7[%get3A_1024, %get3A_1025, %get3A_1026] {strides = array<i32>} : memref<16x8x64xf32, #tpu.memory_space<vmem>>, vector<16xf32>,
      %add3A_1028 = arith.constant 16 : i32
      %add3A_1029 = vector.broadcast %add3A_1028 : i32 to vector<16xi32>
      %add3A_1030 = arith.addi %add3A_1029, %iota3A : vector<16xi32>
      %add3A_1031 = vector.broadcast %add3A_1012 : i32 to vector<16xi32>
      %add3A_1032 = arith.addi %broadcast_in_dim3A_1, %add3A_1031 : vector<16xi32>
      tpu.vector_store_idx %arg8[%add3A_1030, %add3A_1032], %get3A_1027 : memref<64x512xf32, #tpu.memory_space<vmem>>[vector<16xi32>, vector<16xi32>], vector<16xf32>,
      %get3A_1033 = arith.constant 10 : i32
      %get3A_1034 = arith.index_cast %get3A_1033 : i32 to index
      %get3A_1035 = arith.index_cast %and3A_1008 : i32 to index
      %get3A_1036 = arith.constant 32 : index
      %get3A_1037 = tpu.vector_load %arg7[%get3A_1034, %get3A_1035, %get3A_1036] {strides = array<i32>} : memref<16x8x64xf32, #tpu.memory_space<vmem>>, vector<16xf32>,
      %add3A_1038 = arith.constant 32 : i32
      %add3A_1039 = vector.broadcast %add3A_1038 : i32 to vector<16xi32>
      %add3A_1040 = arith.addi %add3A_1039, %iota3A : vector<16xi32>
      %add3A_1041 = vector.broadcast %add3A_1012 : i32 to vector<16xi32>
      %add3A_1042 = arith.addi %broadcast_in_dim3A_1, %add3A_1041 : vector<16xi32>
      tpu.vector_store_idx %arg8[%add3A_1040, %add3A_1042], %get3A_1037 : memref<64x512xf32, #tpu.memory_space<vmem>>[vector<16xi32>, vector<16xi32>], vector<16xf32>,
      %get3A_1043 = arith.constant 10 : i32
      %get3A_1044 = arith.index_cast %get3A_1043 : i32 to index
      %get3A_1045 = arith.index_cast %and3A_1008 : i32 to index
      %get3A_1046 = arith.constant 48 : index
      %get3A_1047 = tpu.vector_load %arg7[%get3A_1044, %get3A_1045, %get3A_1046] {strides = array<i32>} : memref<16x8x64xf32, #tpu.memory_space<vmem>>, vector<16xf32>,
      %add3A_1048 = arith.constant 48 : i32
      %add3A_1049 = vector.broadcast %add3A_1048 : i32 to vector<16xi32>
      %add3A_1050 = arith.addi %add3A_1049, %iota3A : vector<16xi32>
      %add3A_1051 = vector.broadcast %add3A_1012 : i32 to vector<16xi32>
      %add3A_1052 = arith.addi %broadcast_in_dim3A_1, %add3A_1051 : vector<16xi32>
      tpu.vector_store_idx %arg8[%add3A_1050, %add3A_1052], %get3A_1047 : memref<64x512xf32, #tpu.memory_space<vmem>>[vector<16xi32>, vector<16xi32>], vector<16xf32>,
      %slice3A_1053 = vector.extract_strided_slice %get3A_15 {offsets = [11], sizes = [1], strides = [1]} : vector<16xi32> to vector<1xi32>
      %squeeze3A_1054 = vector.extract %slice3A_1053[0] : i32 from vector<1xi32>
      %and3A_1055 = arith.constant 7 : i32
      %and3A_1056 = arith.andi %squeeze3A_1054, %and3A_1055 : i32
      %mul3A_1057 = arith.constant 16 : i32
      %mul3A_1058 = arith.muli %scan3A_10, %mul3A_1057 : i32
      %add3A_1059 = arith.constant 11 : i32
      %add3A_1060 = arith.addi %mul3A_1058, %add3A_1059 : i32
      %get3A_1061 = arith.constant 11 : i32
      %get3A_1062 = arith.index_cast %get3A_1061 : i32 to index
      %get3A_1063 = arith.index_cast %and3A_1056 : i32 to index
      %get3A_1064 = arith.constant 0 : index
      %get3A_1065 = tpu.vector_load %arg7[%get3A_1062, %get3A_1063, %get3A_1064] {strides = array<i32>} : memref<16x8x64xf32, #tpu.memory_space<vmem>>, vector<16xf32>,
      %add3A_1066 = arith.constant 0 : i32
      %add3A_1067 = vector.broadcast %add3A_1066 : i32 to vector<16xi32>
      %add3A_1068 = arith.addi %add3A_1067, %iota3A : vector<16xi32>
      %add3A_1069 = vector.broadcast %add3A_1060 : i32 to vector<16xi32>
      %add3A_1070 = arith.addi %broadcast_in_dim3A_1, %add3A_1069 : vector<16xi32>
      tpu.vector_store_idx %arg8[%add3A_1068, %add3A_1070], %get3A_1065 : memref<64x512xf32, #tpu.memory_space<vmem>>[vector<16xi32>, vector<16xi32>], vector<16xf32>,
      %get3A_1071 = arith.constant 11 : i32
      %get3A_1072 = arith.index_cast %get3A_1071 : i32 to index
      %get3A_1073 = arith.index_cast %and3A_1056 : i32 to index
      %get3A_1074 = arith.constant 16 : index
      %get3A_1075 = tpu.vector_load %arg7[%get3A_1072, %get3A_1073, %get3A_1074] {strides = array<i32>} : memref<16x8x64xf32, #tpu.memory_space<vmem>>, vector<16xf32>,
      %add3A_1076 = arith.constant 16 : i32
      %add3A_1077 = vector.broadcast %add3A_1076 : i32 to vector<16xi32>
      %add3A_1078 = arith.addi %add3A_1077, %iota3A : vector<16xi32>
      %add3A_1079 = vector.broadcast %add3A_1060 : i32 to vector<16xi32>
      %add3A_1080 = arith.addi %broadcast_in_dim3A_1, %add3A_1079 : vector<16xi32>
      tpu.vector_store_idx %arg8[%add3A_1078, %add3A_1080], %get3A_1075 : memref<64x512xf32, #tpu.memory_space<vmem>>[vector<16xi32>, vector<16xi32>], vector<16xf32>,
      %get3A_1081 = arith.constant 11 : i32
      %get3A_1082 = arith.index_cast %get3A_1081 : i32 to index
      %get3A_1083 = arith.index_cast %and3A_1056 : i32 to index
      %get3A_1084 = arith.constant 32 : index
      %get3A_1085 = tpu.vector_load %arg7[%get3A_1082, %get3A_1083, %get3A_1084] {strides = array<i32>} : memref<16x8x64xf32, #tpu.memory_space<vmem>>, vector<16xf32>,
      %add3A_1086 = arith.constant 32 : i32
      %add3A_1087 = vector.broadcast %add3A_1086 : i32 to vector<16xi32>
      %add3A_1088 = arith.addi %add3A_1087, %iota3A : vector<16xi32>
      %add3A_1089 = vector.broadcast %add3A_1060 : i32 to vector<16xi32>
      %add3A_1090 = arith.addi %broadcast_in_dim3A_1, %add3A_1089 : vector<16xi32>
      tpu.vector_store_idx %arg8[%add3A_1088, %add3A_1090], %get3A_1085 : memref<64x512xf32, #tpu.memory_space<vmem>>[vector<16xi32>, vector<16xi32>], vector<16xf32>,
      %get3A_1091 = arith.constant 11 : i32
      %get3A_1092 = arith.index_cast %get3A_1091 : i32 to index
      %get3A_1093 = arith.index_cast %and3A_1056 : i32 to index
      %get3A_1094 = arith.constant 48 : index
      %get3A_1095 = tpu.vector_load %arg7[%get3A_1092, %get3A_1093, %get3A_1094] {strides = array<i32>} : memref<16x8x64xf32, #tpu.memory_space<vmem>>, vector<16xf32>,
      %add3A_1096 = arith.constant 48 : i32
      %add3A_1097 = vector.broadcast %add3A_1096 : i32 to vector<16xi32>
      %add3A_1098 = arith.addi %add3A_1097, %iota3A : vector<16xi32>
      %add3A_1099 = vector.broadcast %add3A_1060 : i32 to vector<16xi32>
      %add3A_1100 = arith.addi %broadcast_in_dim3A_1, %add3A_1099 : vector<16xi32>
      tpu.vector_store_idx %arg8[%add3A_1098, %add3A_1100], %get3A_1095 : memref<64x512xf32, #tpu.memory_space<vmem>>[vector<16xi32>, vector<16xi32>], vector<16xf32>,
      %slice3A_1101 = vector.extract_strided_slice %get3A_15 {offsets = [12], sizes = [1], strides = [1]} : vector<16xi32> to vector<1xi32>
      %squeeze3A_1102 = vector.extract %slice3A_1101[0] : i32 from vector<1xi32>
      %and3A_1103 = arith.constant 7 : i32
      %and3A_1104 = arith.andi %squeeze3A_1102, %and3A_1103 : i32
      %mul3A_1105 = arith.constant 16 : i32
      %mul3A_1106 = arith.muli %scan3A_10, %mul3A_1105 : i32
      %add3A_1107 = arith.constant 12 : i32
      %add3A_1108 = arith.addi %mul3A_1106, %add3A_1107 : i32
      %get3A_1109 = arith.constant 12 : i32
      %get3A_1110 = arith.index_cast %get3A_1109 : i32 to index
      %get3A_1111 = arith.index_cast %and3A_1104 : i32 to index
      %get3A_1112 = arith.constant 0 : index
      %get3A_1113 = tpu.vector_load %arg7[%get3A_1110, %get3A_1111, %get3A_1112] {strides = array<i32>} : memref<16x8x64xf32, #tpu.memory_space<vmem>>, vector<16xf32>,
      %add3A_1114 = arith.constant 0 : i32
      %add3A_1115 = vector.broadcast %add3A_1114 : i32 to vector<16xi32>
      %add3A_1116 = arith.addi %add3A_1115, %iota3A : vector<16xi32>
      %add3A_1117 = vector.broadcast %add3A_1108 : i32 to vector<16xi32>
      %add3A_1118 = arith.addi %broadcast_in_dim3A_1, %add3A_1117 : vector<16xi32>
      tpu.vector_store_idx %arg8[%add3A_1116, %add3A_1118], %get3A_1113 : memref<64x512xf32, #tpu.memory_space<vmem>>[vector<16xi32>, vector<16xi32>], vector<16xf32>,
      %get3A_1119 = arith.constant 12 : i32
      %get3A_1120 = arith.index_cast %get3A_1119 : i32 to index
      %get3A_1121 = arith.index_cast %and3A_1104 : i32 to index
      %get3A_1122 = arith.constant 16 : index
      %get3A_1123 = tpu.vector_load %arg7[%get3A_1120, %get3A_1121, %get3A_1122] {strides = array<i32>} : memref<16x8x64xf32, #tpu.memory_space<vmem>>, vector<16xf32>,
      %add3A_1124 = arith.constant 16 : i32
      %add3A_1125 = vector.broadcast %add3A_1124 : i32 to vector<16xi32>
      %add3A_1126 = arith.addi %add3A_1125, %iota3A : vector<16xi32>
      %add3A_1127 = vector.broadcast %add3A_1108 : i32 to vector<16xi32>
      %add3A_1128 = arith.addi %broadcast_in_dim3A_1, %add3A_1127 : vector<16xi32>
      tpu.vector_store_idx %arg8[%add3A_1126, %add3A_1128], %get3A_1123 : memref<64x512xf32, #tpu.memory_space<vmem>>[vector<16xi32>, vector<16xi32>], vector<16xf32>,
      %get3A_1129 = arith.constant 12 : i32
      %get3A_1130 = arith.index_cast %get3A_1129 : i32 to index
      %get3A_1131 = arith.index_cast %and3A_1104 : i32 to index
      %get3A_1132 = arith.constant 32 : index
      %get3A_1133 = tpu.vector_load %arg7[%get3A_1130, %get3A_1131, %get3A_1132] {strides = array<i32>} : memref<16x8x64xf32, #tpu.memory_space<vmem>>, vector<16xf32>,
      %add3A_1134 = arith.constant 32 : i32
      %add3A_1135 = vector.broadcast %add3A_1134 : i32 to vector<16xi32>
      %add3A_1136 = arith.addi %add3A_1135, %iota3A : vector<16xi32>
      %add3A_1137 = vector.broadcast %add3A_1108 : i32 to vector<16xi32>
      %add3A_1138 = arith.addi %broadcast_in_dim3A_1, %add3A_1137 : vector<16xi32>
      tpu.vector_store_idx %arg8[%add3A_1136, %add3A_1138], %get3A_1133 : memref<64x512xf32, #tpu.memory_space<vmem>>[vector<16xi32>, vector<16xi32>], vector<16xf32>,
      %get3A_1139 = arith.constant 12 : i32
      %get3A_1140 = arith.index_cast %get3A_1139 : i32 to index
      %get3A_1141 = arith.index_cast %and3A_1104 : i32 to index
      %get3A_1142 = arith.constant 48 : index
      %get3A_1143 = tpu.vector_load %arg7[%get3A_1140, %get3A_1141, %get3A_1142] {strides = array<i32>} : memref<16x8x64xf32, #tpu.memory_space<vmem>>, vector<16xf32>,
      %add3A_1144 = arith.constant 48 : i32
      %add3A_1145 = vector.broadcast %add3A_1144 : i32 to vector<16xi32>
      %add3A_1146 = arith.addi %add3A_1145, %iota3A : vector<16xi32>
      %add3A_1147 = vector.broadcast %add3A_1108 : i32 to vector<16xi32>
      %add3A_1148 = arith.addi %broadcast_in_dim3A_1, %add3A_1147 : vector<16xi32>
      tpu.vector_store_idx %arg8[%add3A_1146, %add3A_1148], %get3A_1143 : memref<64x512xf32, #tpu.memory_space<vmem>>[vector<16xi32>, vector<16xi32>], vector<16xf32>,
      %slice3A_1149 = vector.extract_strided_slice %get3A_15 {offsets = [13], sizes = [1], strides = [1]} : vector<16xi32> to vector<1xi32>
      %squeeze3A_1150 = vector.extract %slice3A_1149[0] : i32 from vector<1xi32>
      %and3A_1151 = arith.constant 7 : i32
      %and3A_1152 = arith.andi %squeeze3A_1150, %and3A_1151 : i32
      %mul3A_1153 = arith.constant 16 : i32
      %mul3A_1154 = arith.muli %scan3A_10, %mul3A_1153 : i32
      %add3A_1155 = arith.constant 13 : i32
      %add3A_1156 = arith.addi %mul3A_1154, %add3A_1155 : i32
      %get3A_1157 = arith.constant 13 : i32
      %get3A_1158 = arith.index_cast %get3A_1157 : i32 to index
      %get3A_1159 = arith.index_cast %and3A_1152 : i32 to index
      %get3A_1160 = arith.constant 0 : index
      %get3A_1161 = tpu.vector_load %arg7[%get3A_1158, %get3A_1159, %get3A_1160] {strides = array<i32>} : memref<16x8x64xf32, #tpu.memory_space<vmem>>, vector<16xf32>,
      %add3A_1162 = arith.constant 0 : i32
      %add3A_1163 = vector.broadcast %add3A_1162 : i32 to vector<16xi32>
      %add3A_1164 = arith.addi %add3A_1163, %iota3A : vector<16xi32>
      %add3A_1165 = vector.broadcast %add3A_1156 : i32 to vector<16xi32>
      %add3A_1166 = arith.addi %broadcast_in_dim3A_1, %add3A_1165 : vector<16xi32>
      tpu.vector_store_idx %arg8[%add3A_1164, %add3A_1166], %get3A_1161 : memref<64x512xf32, #tpu.memory_space<vmem>>[vector<16xi32>, vector<16xi32>], vector<16xf32>,
      %get3A_1167 = arith.constant 13 : i32
      %get3A_1168 = arith.index_cast %get3A_1167 : i32 to index
      %get3A_1169 = arith.index_cast %and3A_1152 : i32 to index
      %get3A_1170 = arith.constant 16 : index
      %get3A_1171 = tpu.vector_load %arg7[%get3A_1168, %get3A_1169, %get3A_1170] {strides = array<i32>} : memref<16x8x64xf32, #tpu.memory_space<vmem>>, vector<16xf32>,
      %add3A_1172 = arith.constant 16 : i32
      %add3A_1173 = vector.broadcast %add3A_1172 : i32 to vector<16xi32>
      %add3A_1174 = arith.addi %add3A_1173, %iota3A : vector<16xi32>
      %add3A_1175 = vector.broadcast %add3A_1156 : i32 to vector<16xi32>
      %add3A_1176 = arith.addi %broadcast_in_dim3A_1, %add3A_1175 : vector<16xi32>
      tpu.vector_store_idx %arg8[%add3A_1174, %add3A_1176], %get3A_1171 : memref<64x512xf32, #tpu.memory_space<vmem>>[vector<16xi32>, vector<16xi32>], vector<16xf32>,
      %get3A_1177 = arith.constant 13 : i32
      %get3A_1178 = arith.index_cast %get3A_1177 : i32 to index
      %get3A_1179 = arith.index_cast %and3A_1152 : i32 to index
      %get3A_1180 = arith.constant 32 : index
      %get3A_1181 = tpu.vector_load %arg7[%get3A_1178, %get3A_1179, %get3A_1180] {strides = array<i32>} : memref<16x8x64xf32, #tpu.memory_space<vmem>>, vector<16xf32>,
      %add3A_1182 = arith.constant 32 : i32
      %add3A_1183 = vector.broadcast %add3A_1182 : i32 to vector<16xi32>
      %add3A_1184 = arith.addi %add3A_1183, %iota3A : vector<16xi32>
      %add3A_1185 = vector.broadcast %add3A_1156 : i32 to vector<16xi32>
      %add3A_1186 = arith.addi %broadcast_in_dim3A_1, %add3A_1185 : vector<16xi32>
      tpu.vector_store_idx %arg8[%add3A_1184, %add3A_1186], %get3A_1181 : memref<64x512xf32, #tpu.memory_space<vmem>>[vector<16xi32>, vector<16xi32>], vector<16xf32>,
      %get3A_1187 = arith.constant 13 : i32
      %get3A_1188 = arith.index_cast %get3A_1187 : i32 to index
      %get3A_1189 = arith.index_cast %and3A_1152 : i32 to index
      %get3A_1190 = arith.constant 48 : index
      %get3A_1191 = tpu.vector_load %arg7[%get3A_1188, %get3A_1189, %get3A_1190] {strides = array<i32>} : memref<16x8x64xf32, #tpu.memory_space<vmem>>, vector<16xf32>,
      %add3A_1192 = arith.constant 48 : i32
      %add3A_1193 = vector.broadcast %add3A_1192 : i32 to vector<16xi32>
      %add3A_1194 = arith.addi %add3A_1193, %iota3A : vector<16xi32>
      %add3A_1195 = vector.broadcast %add3A_1156 : i32 to vector<16xi32>
      %add3A_1196 = arith.addi %broadcast_in_dim3A_1, %add3A_1195 : vector<16xi32>
      tpu.vector_store_idx %arg8[%add3A_1194, %add3A_1196], %get3A_1191 : memref<64x512xf32, #tpu.memory_space<vmem>>[vector<16xi32>, vector<16xi32>], vector<16xf32>,
      %slice3A_1197 = vector.extract_strided_slice %get3A_15 {offsets = [14], sizes = [1], strides = [1]} : vector<16xi32> to vector<1xi32>
      %squeeze3A_1198 = vector.extract %slice3A_1197[0] : i32 from vector<1xi32>
      %and3A_1199 = arith.constant 7 : i32
      %and3A_1200 = arith.andi %squeeze3A_1198, %and3A_1199 : i32
      %mul3A_1201 = arith.constant 16 : i32
      %mul3A_1202 = arith.muli %scan3A_10, %mul3A_1201 : i32
      %add3A_1203 = arith.constant 14 : i32
      %add3A_1204 = arith.addi %mul3A_1202, %add3A_1203 : i32
      %get3A_1205 = arith.constant 14 : i32
      %get3A_1206 = arith.index_cast %get3A_1205 : i32 to index
      %get3A_1207 = arith.index_cast %and3A_1200 : i32 to index
      %get3A_1208 = arith.constant 0 : index
      %get3A_1209 = tpu.vector_load %arg7[%get3A_1206, %get3A_1207, %get3A_1208] {strides = array<i32>} : memref<16x8x64xf32, #tpu.memory_space<vmem>>, vector<16xf32>,
      %add3A_1210 = arith.constant 0 : i32
      %add3A_1211 = vector.broadcast %add3A_1210 : i32 to vector<16xi32>
      %add3A_1212 = arith.addi %add3A_1211, %iota3A : vector<16xi32>
      %add3A_1213 = vector.broadcast %add3A_1204 : i32 to vector<16xi32>
      %add3A_1214 = arith.addi %broadcast_in_dim3A_1, %add3A_1213 : vector<16xi32>
      tpu.vector_store_idx %arg8[%add3A_1212, %add3A_1214], %get3A_1209 : memref<64x512xf32, #tpu.memory_space<vmem>>[vector<16xi32>, vector<16xi32>], vector<16xf32>,
      %get3A_1215 = arith.constant 14 : i32
      %get3A_1216 = arith.index_cast %get3A_1215 : i32 to index
      %get3A_1217 = arith.index_cast %and3A_1200 : i32 to index
      %get3A_1218 = arith.constant 16 : index
      %get3A_1219 = tpu.vector_load %arg7[%get3A_1216, %get3A_1217, %get3A_1218] {strides = array<i32>} : memref<16x8x64xf32, #tpu.memory_space<vmem>>, vector<16xf32>,
      %add3A_1220 = arith.constant 16 : i32
      %add3A_1221 = vector.broadcast %add3A_1220 : i32 to vector<16xi32>
      %add3A_1222 = arith.addi %add3A_1221, %iota3A : vector<16xi32>
      %add3A_1223 = vector.broadcast %add3A_1204 : i32 to vector<16xi32>
      %add3A_1224 = arith.addi %broadcast_in_dim3A_1, %add3A_1223 : vector<16xi32>
      tpu.vector_store_idx %arg8[%add3A_1222, %add3A_1224], %get3A_1219 : memref<64x512xf32, #tpu.memory_space<vmem>>[vector<16xi32>, vector<16xi32>], vector<16xf32>,
      %get3A_1225 = arith.constant 14 : i32
      %get3A_1226 = arith.index_cast %get3A_1225 : i32 to index
      %get3A_1227 = arith.index_cast %and3A_1200 : i32 to index
      %get3A_1228 = arith.constant 32 : index
      %get3A_1229 = tpu.vector_load %arg7[%get3A_1226, %get3A_1227, %get3A_1228] {strides = array<i32>} : memref<16x8x64xf32, #tpu.memory_space<vmem>>, vector<16xf32>,
      %add3A_1230 = arith.constant 32 : i32
      %add3A_1231 = vector.broadcast %add3A_1230 : i32 to vector<16xi32>
      %add3A_1232 = arith.addi %add3A_1231, %iota3A : vector<16xi32>
      %add3A_1233 = vector.broadcast %add3A_1204 : i32 to vector<16xi32>
      %add3A_1234 = arith.addi %broadcast_in_dim3A_1, %add3A_1233 : vector<16xi32>
      tpu.vector_store_idx %arg8[%add3A_1232, %add3A_1234], %get3A_1229 : memref<64x512xf32, #tpu.memory_space<vmem>>[vector<16xi32>, vector<16xi32>], vector<16xf32>,
      %get3A_1235 = arith.constant 14 : i32
      %get3A_1236 = arith.index_cast %get3A_1235 : i32 to index
      %get3A_1237 = arith.index_cast %and3A_1200 : i32 to index
      %get3A_1238 = arith.constant 48 : index
      %get3A_1239 = tpu.vector_load %arg7[%get3A_1236, %get3A_1237, %get3A_1238] {strides = array<i32>} : memref<16x8x64xf32, #tpu.memory_space<vmem>>, vector<16xf32>,
      %add3A_1240 = arith.constant 48 : i32
      %add3A_1241 = vector.broadcast %add3A_1240 : i32 to vector<16xi32>
      %add3A_1242 = arith.addi %add3A_1241, %iota3A : vector<16xi32>
      %add3A_1243 = vector.broadcast %add3A_1204 : i32 to vector<16xi32>
      %add3A_1244 = arith.addi %broadcast_in_dim3A_1, %add3A_1243 : vector<16xi32>
      tpu.vector_store_idx %arg8[%add3A_1242, %add3A_1244], %get3A_1239 : memref<64x512xf32, #tpu.memory_space<vmem>>[vector<16xi32>, vector<16xi32>], vector<16xf32>,
      %slice3A_1245 = vector.extract_strided_slice %get3A_15 {offsets = [15], sizes = [1], strides = [1]} : vector<16xi32> to vector<1xi32>
      %squeeze3A_1246 = vector.extract %slice3A_1245[0] : i32 from vector<1xi32>
      %and3A_1247 = arith.constant 7 : i32
      %and3A_1248 = arith.andi %squeeze3A_1246, %and3A_1247 : i32
      %mul3A_1249 = arith.constant 16 : i32
      %mul3A_1250 = arith.muli %scan3A_10, %mul3A_1249 : i32
      %add3A_1251 = arith.constant 15 : i32
      %add3A_1252 = arith.addi %mul3A_1250, %add3A_1251 : i32
      %get3A_1253 = arith.constant 15 : i32
      %get3A_1254 = arith.index_cast %get3A_1253 : i32 to index
      %get3A_1255 = arith.index_cast %and3A_1248 : i32 to index
      %get3A_1256 = arith.constant 0 : index
      %get3A_1257 = tpu.vector_load %arg7[%get3A_1254, %get3A_1255, %get3A_1256] {strides = array<i32>} : memref<16x8x64xf32, #tpu.memory_space<vmem>>, vector<16xf32>,
      %add3A_1258 = arith.constant 0 : i32
      %add3A_1259 = vector.broadcast %add3A_1258 : i32 to vector<16xi32>
      %add3A_1260 = arith.addi %add3A_1259, %iota3A : vector<16xi32>
      %add3A_1261 = vector.broadcast %add3A_1252 : i32 to vector<16xi32>
      %add3A_1262 = arith.addi %broadcast_in_dim3A_1, %add3A_1261 : vector<16xi32>
      tpu.vector_store_idx %arg8[%add3A_1260, %add3A_1262], %get3A_1257 : memref<64x512xf32, #tpu.memory_space<vmem>>[vector<16xi32>, vector<16xi32>], vector<16xf32>,
      %get3A_1263 = arith.constant 15 : i32
      %get3A_1264 = arith.index_cast %get3A_1263 : i32 to index
      %get3A_1265 = arith.index_cast %and3A_1248 : i32 to index
      %get3A_1266 = arith.constant 16 : index
      %get3A_1267 = tpu.vector_load %arg7[%get3A_1264, %get3A_1265, %get3A_1266] {strides = array<i32>} : memref<16x8x64xf32, #tpu.memory_space<vmem>>, vector<16xf32>,
      %add3A_1268 = arith.constant 16 : i32
      %add3A_1269 = vector.broadcast %add3A_1268 : i32 to vector<16xi32>
      %add3A_1270 = arith.addi %add3A_1269, %iota3A : vector<16xi32>
      %add3A_1271 = vector.broadcast %add3A_1252 : i32 to vector<16xi32>
      %add3A_1272 = arith.addi %broadcast_in_dim3A_1, %add3A_1271 : vector<16xi32>
      tpu.vector_store_idx %arg8[%add3A_1270, %add3A_1272], %get3A_1267 : memref<64x512xf32, #tpu.memory_space<vmem>>[vector<16xi32>, vector<16xi32>], vector<16xf32>,
      %get3A_1273 = arith.constant 15 : i32
      %get3A_1274 = arith.index_cast %get3A_1273 : i32 to index
      %get3A_1275 = arith.index_cast %and3A_1248 : i32 to index
      %get3A_1276 = arith.constant 32 : index
      %get3A_1277 = tpu.vector_load %arg7[%get3A_1274, %get3A_1275, %get3A_1276] {strides = array<i32>} : memref<16x8x64xf32, #tpu.memory_space<vmem>>, vector<16xf32>,
      %add3A_1278 = arith.constant 32 : i32
      %add3A_1279 = vector.broadcast %add3A_1278 : i32 to vector<16xi32>
      %add3A_1280 = arith.addi %add3A_1279, %iota3A : vector<16xi32>
      %add3A_1281 = vector.broadcast %add3A_1252 : i32 to vector<16xi32>
      %add3A_1282 = arith.addi %broadcast_in_dim3A_1, %add3A_1281 : vector<16xi32>
      tpu.vector_store_idx %arg8[%add3A_1280, %add3A_1282], %get3A_1277 : memref<64x512xf32, #tpu.memory_space<vmem>>[vector<16xi32>, vector<16xi32>], vector<16xf32>,
      %get3A_1283 = arith.constant 15 : i32
      %get3A_1284 = arith.index_cast %get3A_1283 : i32 to index
      %get3A_1285 = arith.index_cast %and3A_1248 : i32 to index
      %get3A_1286 = arith.constant 48 : index
      %get3A_1287 = tpu.vector_load %arg7[%get3A_1284, %get3A_1285, %get3A_1286] {strides = array<i32>} : memref<16x8x64xf32, #tpu.memory_space<vmem>>, vector<16xf32>,
      %add3A_1288 = arith.constant 48 : i32
      %add3A_1289 = vector.broadcast %add3A_1288 : i32 to vector<16xi32>
      %add3A_1290 = arith.addi %add3A_1289, %iota3A : vector<16xi32>
      %add3A_1291 = vector.broadcast %add3A_1252 : i32 to vector<16xi32>
      %add3A_1292 = arith.addi %broadcast_in_dim3A_1, %add3A_1291 : vector<16xi32>
      tpu.vector_store_idx %arg8[%add3A_1290, %add3A_1292], %get3A_1287 : memref<64x512xf32, #tpu.memory_space<vmem>>[vector<16xi32>, vector<16xi32>], vector<16xf32>,
    }
    %scan3A_5 = arith.constant 32 : i32
    %mul3A_6 = arith.constant 512 : i32
    %mul3A_7 = arith.muli %add3A, %mul3A_6 : i32
    "tpu.region"() ({
      %run_scoped3A = tpu.sem_alloc : memref<!tpu.dma_semaphore, #tpu.memory_space<semaphore_mem>>
      %dma_start3A = arith.constant 0 : i32
      %dma_start3A_10 = arith.constant 0 : i32
      %dma_start3A_11 = tpu.memref_slice %arg8[%dma_start3A, %dma_start3A_10] : memref<64x512xf32, #tpu.memory_space<vmem>> -> memref<32x512xf32, #tpu.memory_space<vmem>>
      %dma_start3A_12 = arith.constant 0 : i32
      %dma_start3A_13 = tpu.memref_slice %arg4[%dma_start3A_12, %mul3A_7] : memref<32x16384xf32, #tpu.memory_space<hbm>> -> memref<32x512xf32, #tpu.memory_space<hbm>>
      %dma_start3A_14 = arith.constant 0 : i32
      %dma_start3A_15 = tpu.memref_slice %arg4[%dma_start3A_14, %mul3A_7] : memref<32x16384xf32, #tpu.memory_space<hbm>> -> memref<32x512xf32, #tpu.memory_space<hbm>>
      %dma_start3A_16 = arith.constant 0 : i32
      %dma_start3A_17 = arith.constant 0 : i32
      %dma_start3A_18 = tpu.memref_slice %arg8[%dma_start3A_16, %dma_start3A_17] : memref<64x512xf32, #tpu.memory_space<vmem>> -> memref<32x512xf32, #tpu.memory_space<vmem>>
      tpu.enqueue_dma source(%dma_start3A_18 : memref<32x512xf32, #tpu.memory_space<vmem>>) target(%dma_start3A_15 : memref<32x512xf32, #tpu.memory_space<hbm>>) target_semaphore(%run_scoped3A : memref<!tpu.dma_semaphore, #tpu.memory_space<semaphore_mem>>)
      %dma_wait3A = arith.constant 0 : i32
      %dma_wait3A_19 = arith.constant 0 : i32
      %dma_wait3A_20 = tpu.memref_slice %arg8[%dma_wait3A, %dma_wait3A_19] : memref<64x512xf32, #tpu.memory_space<vmem>> -> memref<32x512xf32, #tpu.memory_space<vmem>>
      %dma_wait3A_21 = arith.constant 0 : i32
      %dma_wait3A_22 = tpu.memref_slice %arg4[%dma_wait3A_21, %mul3A_7] : memref<32x16384xf32, #tpu.memory_space<hbm>> -> memref<32x512xf32, #tpu.memory_space<hbm>>
      %dma_wait3A_23 = arith.constant 0 : i32
      %dma_wait3A_24 = tpu.memref_slice %arg4[%dma_wait3A_23, %mul3A_7] : memref<32x16384xf32, #tpu.memory_space<hbm>> -> memref<32x512xf32, #tpu.memory_space<hbm>>
      %dma_wait3A_25 = arith.constant 0 : i32
      %dma_wait3A_26 = arith.constant 0 : i32
      %dma_wait3A_27 = tpu.memref_slice %arg8[%dma_wait3A_25, %dma_wait3A_26] : memref<64x512xf32, #tpu.memory_space<vmem>> -> memref<32x512xf32, #tpu.memory_space<vmem>>
      tpu.wait_dma2 semaphore(%run_scoped3A : memref<!tpu.dma_semaphore, #tpu.memory_space<semaphore_mem>>) src(%dma_wait3A_27 : memref<32x512xf32, #tpu.memory_space<vmem>>) dst(%dma_wait3A_24 : memref<32x512xf32, #tpu.memory_space<hbm>>)
      tpu.yield
    }) : () -> ()
    %mul3A_8 = arith.constant 512 : i32
    %mul3A_9 = arith.muli %add3A, %mul3A_8 : i32
    "tpu.region"() ({
      %run_scoped3A = tpu.sem_alloc : memref<!tpu.dma_semaphore, #tpu.memory_space<semaphore_mem>>
      %dma_start3A = arith.constant 32 : i32
      %dma_start3A_10 = arith.constant 0 : i32
      %dma_start3A_11 = tpu.memref_slice %arg8[%dma_start3A, %dma_start3A_10] : memref<64x512xf32, #tpu.memory_space<vmem>> -> memref<32x512xf32, #tpu.memory_space<vmem>>
      %dma_start3A_12 = arith.constant 0 : i32
      %dma_start3A_13 = tpu.memref_slice %arg5[%dma_start3A_12, %mul3A_9] : memref<32x16384xf32, #tpu.memory_space<hbm>> -> memref<32x512xf32, #tpu.memory_space<hbm>>
      %dma_start3A_14 = arith.constant 0 : i32
      %dma_start3A_15 = tpu.memref_slice %arg5[%dma_start3A_14, %mul3A_9] : memref<32x16384xf32, #tpu.memory_space<hbm>> -> memref<32x512xf32, #tpu.memory_space<hbm>>
      %dma_start3A_16 = arith.constant 32 : i32
      %dma_start3A_17 = arith.constant 0 : i32
      %dma_start3A_18 = tpu.memref_slice %arg8[%dma_start3A_16, %dma_start3A_17] : memref<64x512xf32, #tpu.memory_space<vmem>> -> memref<32x512xf32, #tpu.memory_space<vmem>>
      tpu.enqueue_dma source(%dma_start3A_18 : memref<32x512xf32, #tpu.memory_space<vmem>>) target(%dma_start3A_15 : memref<32x512xf32, #tpu.memory_space<hbm>>) target_semaphore(%run_scoped3A : memref<!tpu.dma_semaphore, #tpu.memory_space<semaphore_mem>>)
      %dma_wait3A = arith.constant 32 : i32
      %dma_wait3A_19 = arith.constant 0 : i32
      %dma_wait3A_20 = tpu.memref_slice %arg8[%dma_wait3A, %dma_wait3A_19] : memref<64x512xf32, #tpu.memory_space<vmem>> -> memref<32x512xf32, #tpu.memory_space<vmem>>
      %dma_wait3A_21 = arith.constant 0 : i32
      %dma_wait3A_22 = tpu.memref_slice %arg5[%dma_wait3A_21, %mul3A_9] : memref<32x16384xf32, #tpu.memory_space<hbm>> -> memref<32x512xf32, #tpu.memory_space<hbm>>
      %dma_wait3A_23 = arith.constant 0 : i32
      %dma_wait3A_24 = tpu.memref_slice %arg5[%dma_wait3A_23, %mul3A_9] : memref<32x16384xf32, #tpu.memory_space<hbm>> -> memref<32x512xf32, #tpu.memory_space<hbm>>
      %dma_wait3A_25 = arith.constant 32 : i32
      %dma_wait3A_26 = arith.constant 0 : i32
      %dma_wait3A_27 = tpu.memref_slice %arg8[%dma_wait3A_25, %dma_wait3A_26] : memref<64x512xf32, #tpu.memory_space<vmem>> -> memref<32x512xf32, #tpu.memory_space<vmem>>
      tpu.wait_dma2 semaphore(%run_scoped3A : memref<!tpu.dma_semaphore, #tpu.memory_space<semaphore_mem>>) src(%dma_wait3A_27 : memref<32x512xf32, #tpu.memory_space<vmem>>) dst(%dma_wait3A_24 : memref<32x512xf32, #tpu.memory_space<hbm>>)
      tpu.yield
    }) : () -> ()
    return
  }
}

</mosaic_0001>

<sc_bundles>
// kernel: kernel.3.cloned.1.call-start
scs
__scs_entry_jumppad:
0x0: {  	(pc) =	sbr.rel $0x88, $3  }
0x1: {  	(tag) =	ssettag $0x0;
	lr =	simm.s32 $0x1  }
0x2: {  	[smem:$0x3F9F] =	sst lr;
	_ =	strace $0xD0000000  }
0x3: {  	_ = 	snop  }
0x4: {  	_ = 	snop  }
0x5: {  	_ = 	snop  }
0x6: {  	_ = 	snop  }
0x7: {  	_ = 	snop  }
__scs_overlays_trampoline_lowered:
0x8: {  	[smem:$0x3FAE] =	sst s0  }
0x9: {  	[smem:$0x3FAF] =	sst s1  }
0xa: {  	[smem:$0x3FB0] =	sst s2  }
0xb: {  	[smem:$0x3FB1] =	sst s3  }
0xc: {  	[smem:$0x3FB2] =	sst s4  }
0xd: {  	[smem:$0x3FB3] =	sst s5  }
0xe: {  	[smem:$0x3FB4] =	sst s6  }
0xf: {  	[smem:$0x3FB5] =	sst s7  }
0x10: {  	[smem:$0x3FB6] =	sst s8  }
0x11: {  	[smem:$0x3FB7] =	sst s9;
	s0 =	simm.s32 @!p0 $0x0  }
0x12: {  	s1 =	sld [smem:$0x3F9D];
	s0 =	simm.s32 @p0 $0x1  }
0x13: {  	[smem:$0x3FB8] =	sst s0;
	s0 =	simm.s32 @!p1 $0x0  }
0x14: {  	s2 =	sld [smem:$0x3F9C];
	s0 =	simm.s32 @p1 $0x1  }
0x15: {  	[smem:$0x3FB9] =	sst s0;
	s0 =	simm.s32 @!p2 $0x0  }
0x16: {  	s3 =	sld [smem:$0x3FDB];
	s0 =	simm.s32 @p2 $0x1  }
0x17: {  	s4 =	simm.s32 $0x1BF5;
	[smem:$0x3FBB] =	sst s0  }
0x18: {  	s0 =	sld [smem:$0x3F9E];
	_ =	swait.ge [sflag:s4], $0x0  }
0x19: {  	s7 =	sld [smem:$0x3F9F]  }
0x1a: {  	s8 =	sadd.s32 $0xFFFFE003, lr  }
0x1b: {  	s9 =	sadd.s32 $0xFFFFFEF7, lr;
	s5 =	simm.s32 $0xFFFFFFFF;
	p2 =	slt.u32 s8, $0xFFFFF086  }
0x1c: {  	p1 =	slt.u32 s9, $0xF7A;
	s5 =	simm.s32 @!p2 $0x0  }
0x1d: {  	s5 =	simm.s32 @p1 $0x1;
	p0 =	seq.s32 s7, s2  }
0x1e: {  	s7 =	smul.u32 @!p0 $0xF7A, s2;
	p2 =	seq.s32 @!p0 s5, $0x0  }
0x1f: {  	s9 =	smul.u32 $0xF7A, s1;
	s8 =	simm.s32 @!p0 $0x1BF5;
	p2 =	por !p2, p0  }
0x20: {  	[sflag:s8] =	ssyncset.s32 @!p0 $0xFFFFF086;
	s6 =	sadd.s32 @!p0 s3, s7;
	s7 =	simm.s32 @!p0 $0x108  }
0x21: {  	s3 =	sadd.s32 s3, s9;
	s6 =	sadd.s32 @!p0 $0x88, s6;
	s7 =	simm.s32 @p2 $0x1082  }
0x22: {  	[simem:s7], [sflag:s8] =	dma.local @!p0 [hbm:s6], $0xF7A  }
0x23: {  	s9 =	sor.u32 $0xD0000000, s2;
	s6 =	simm.s32 $0x108;
	_ =	swait.ge @!p0 [sflag:s8], $0x0  }
0x24: {  	s3 =	sadd.s32 $0x88, s3;
	s6 =	simm.s32 @!p1 $0x1082;
	[sflag:s4] =	ssyncset.s32 $0xFFFFF086  }
0x25: {  	[simem:s6], [sflag:s4] =	dma.local [hbm:s3], $0xF7A  }
0x26: {  	[smem:$0x3F9F] =	sst s1;
	(tag) =	ssettag s2;
	_ =	strace s9  }
0x27: {  	s1 =	sld [smem:$0x3FAF]  }
0x28: {  	s2 =	sld [smem:$0x3FB0]  }
0x29: {  	s4 =	sld [smem:$0x3FB2]  }
0x2a: {  	p0 =	seq.s32 s5, $0x0;
	s5 =	sld [smem:$0x3FB3]  }
0x2b: {  	s6 =	sld [smem:$0x3FB4]  }
0x2c: {  	s7 =	sld [smem:$0x3FB5]  }
0x2d: {  	s3 =	simm.s32 $0x108;
	s8 =	sld [smem:$0x3FB6]  }
0x2e: {  	s3 =	simm.s32 @!p0 $0x1082;
	s9 =	sld [smem:$0x3FB7]  }
0x2f: {  	lr =	sadd.s32 s0, s3;
	s0 =	sld [smem:$0x3FAE]  }
0x30: {  	s3 =	sld [smem:$0x3FB1]  }
0x31: {  	[smem:$0x3FBA] =	sst s10  }
0x32: {  	s10 =	sld [smem:$0x3FB8];
	_ =	sdelay $0x3  }
0x33: {  	p0 =	seq.s32 s10, $0x1;
	s10 =	sld [smem:$0x3FBA];
	_ =	sdelay $0x3  }
0x34: {  	[smem:$0x3FBA] =	sst s10  }
0x35: {  	s10 =	sld [smem:$0x3FB9];
	_ =	sdelay $0x3  }
0x36: {  	p1 =	seq.s32 s10, $0x1;
	s10 =	sld [smem:$0x3FBA];
	_ =	sdelay $0x3  }
0x37: {  	[smem:$0x3FBA] =	sst s10  }
0x38: {  	s10 =	sld [smem:$0x3FBB]  }
0x39: {  	_ = 	snop;
	(pc) =	sbr.ind lr, $3  }
0x3a: {  	_ = 	snop  }
0x3b: {  	_ = 	snop  }
0x3c: {  	p2 =	seq.s32 s10, $0x1;
	s10 =	sld [smem:$0x3FBA]  }
0x3d: {  	_ =	shalt  }
0x3e: {  	_ =	shalt  }
0x3f: {  	_ =	shalt  }
0x40: {  	_ =	shalt  }
0x41: {  	_ =	shalt  }
0x42: {  	_ =	shalt  }
0x43: {  	_ =	shalt  }
0x44: {  	_ =	shalt  }
0x45: {  	_ =	shalt  }
0x46: {  	_ =	shalt  }
0x47: {  	_ =	shalt  }
0x48: {  	_ =	shalt  }
0x49: {  	_ =	shalt  }
0x4a: {  	_ =	shalt  }
0x4b: {  	_ =	shalt  }
0x4c: {  	_ =	shalt  }
0x4d: {  	_ =	shalt  }
0x4e: {  	_ =	shalt  }
0x4f: {  	_ =	shalt  }
0x50: {  	_ =	shalt  }
0x51: {  	_ =	shalt  }
0x52: {  	_ =	shalt  }
0x53: {  	_ =	shalt  }
0x54: {  	_ =	shalt  }
0x55: {  	_ =	shalt  }
0x56: {  	_ =	shalt  }
0x57: {  	_ =	shalt  }
0x58: {  	_ =	shalt  }
0x59: {  	_ =	shalt  }
0x5a: {  	_ =	shalt  }
0x5b: {  	_ =	shalt  }
0x5c: {  	_ =	shalt  }
0x5d: {  	_ =	shalt  }
0x5e: {  	_ =	shalt  }
0x5f: {  	_ =	shalt  }
0x60: {  	_ =	shalt  }
0x61: {  	_ =	shalt  }
0x62: {  	_ =	shalt  }
0x63: {  	_ =	shalt  }
0x64: {  	_ =	shalt  }
0x65: {  	_ =	shalt  }
0x66: {  	_ =	shalt  }
0x67: {  	_ =	shalt  }
0x68: {  	_ =	shalt  }
0x69: {  	_ =	shalt  }
0x6a: {  	_ =	shalt  }
0x6b: {  	_ =	shalt  }
0x6c: {  	_ =	shalt  }
0x6d: {  	_ =	shalt  }
0x6e: {  	_ =	shalt  }
0x6f: {  	_ =	shalt  }
0x70: {  	_ =	shalt  }
0x71: {  	_ =	shalt  }
0x72: {  	_ =	shalt  }
0x73: {  	_ =	shalt  }
0x74: {  	_ =	shalt  }
0x75: {  	_ =	shalt  }
0x76: {  	_ =	shalt  }
0x77: {  	_ =	shalt  }
0x78: {  	_ =	shalt  }
0x79: {  	_ =	shalt  }
0x7a: {  	_ =	shalt  }
0x7b: {  	_ =	shalt  }
0x7c: {  	_ =	shalt  }
0x7d: {  	_ =	shalt  }
0x7e: {  	_ =	shalt  }
0x7f: {  	_ =	shalt  }
0x80: {  	_ =	shalt  }
0x81: {  	_ =	shalt  }
0x82: {  	_ =	shalt  }
0x83: {  	_ =	shalt  }
0x84: {  	_ =	shalt  }
0x85: {  	_ =	shalt  }
0x86: {  	_ =	shalt  }
0x87: {  	_ =	shalt  }
.Lfunc_end0:
.L_simem_size_0:
called_computation_lowered:
.L_overlay_start_0:
0x88: {  	s2 =	sld [smem:$0x3FD9]  }
0x89: {  	s3 =	sld [smem:$0x3FFE];
	_ =	sdelay $0x1  }
0x8a: {  	s1 =	srdreg.scid  }
0x8b: {  	s0 =	sand.u32 $0x1, s1  }
0x8c: {  	s14 =	sshll.u32 s0, $0xA;
	s2 =	sadd.s32 s3, s2  }
0x8d: {  	s2 =	sadd.s32 s2, s14  }
0x8e: {  	[smem:$0x3FC6] =	sst s2  }
0x8f: {  	_ = 	snop  }
0x90: {  	s2 =	sld [smem:$0x3FD0];
	_ =	sdelay $0x2  }
0x91: {  	s15 =	simm.s32 $0xA;
	s4 =	simm.s32 $0x10  }
0x92: {  	[smem:s4], [sflag:s15] =	dma.local [hbm:s2], $0x1  }
0x93: {  	_ =	swait.eq [sflag:s15], $0x1  }
0x94: {  	[sflag:s15] =	ssyncset.done $0x0  }
0x95: {  	s16 =	sld [smem:$0x10];
	[sflag:s15] =	ssyncadd.s32 $0xFFFFFFFF  }
0x96: {  	s17 =	sld [smem:$0x11];
	(tm) =	ssettm $0x1  }
0x97: {  	s18 =	sld [smem:$0x3FFB];
	_ =	sdelay $0x3  }
0x98: {  	_ =	strace s18  }
0x99: {  	s4 =	sld [smem:$0x3FFC];
	_ =	sdelay $0x3  }
0x9a: {  	_ =	strace s4  }
0x9b: {  	s4 =	sld [smem:$0x3FFD];
	_ =	sdelay $0x3  }
0x9c: {  	_ =	strace s4  }
0x9d: {  	_ =	strace $0x8FFFFFFF  }
0x9e: {  	s19 =	sld [smem:$0x3FDB];
	_ =	sdelay $0x1  }
0x9f: {  	s5 =	simm.s32 $_scs_section_size  }
0xa0: {  	s6 =	simm.s32 $_size__tile_overlayer_lowered;
	s7 =	simm.s32 $_tile_overlayer_lowered  }
0xa1: {  	s22 =	simm.s32 $0x1BFF;
	s21 =	sshll.u32 s7, $0x1;
	s4 =	sadd.s32 s5, s19  }
0xa2: {  	s8 =	simm.s32 $0x0;
	s20 =	sshll.u32 s6, $0x1;
	s6 =	sadd.s32 s21, s4  }
0xa3: {  	[timem:s8], [sflag:s22] =	dma.local [hbm:s6], s20  }
0xa4: {  	_ =	swait.ge [sflag:s22], s20  }
0xa5: {  	s5 =	ssub.s32 $0x0, s20;
	[sflag:s22] =	ssyncset.done $0x0  }
0xa6: {  	[sflag:s22] =	ssyncadd.s32 s5;
	_ =	sdelay $0x1  }
0xa7: {  	s23 =	simm.s32 $0x1B8B  }
0xa8: {  	_ =	swait.ge [sflag:s23], $0x1  }
0xa9: {  	[sflag:s23] =	ssyncset.done $0x0  }
0xaa: {  	s25 =	simm.s32 $0x1B8E;
	s24 =	sld [smem:$0x3FFE];
	[sflag:s23] =	ssyncadd.s32 $0xFFFFFFFF  }
0xab: {  	s26 =	simm.s32 $execute0_lowered;
	[smem:$0x3FD2] =	sst s25  }
0xac: {  	s6 =	sshll.u32 s26, $0x1;
	_ =	strace $0x80000046;
	[dreg:$0x1] =	wrdreg $0xFFFFFFFF  }
0xad: {  	s28 =	simm.s32 $_size_execute0_lowered;
	s4 =	sadd.s32 s4, s6;
	[dreg:$0x0] =	wrdreg $0x0  }
0xae: {  	s6 =	sshll.u32 s28, $0x1;
	[dreg:$0x2] =	wrdreg s4  }
0xaf: {  	[dreg:$0x3] =	wrdreg s6  }
0xb0: {  	[dreg:$0x4] =	wrdreg $0xC0  }
0xb1: {  	_ =	task [dreg:s8], $0x5FFFF  }
0xb2: {  	[dreg:$0x1] =	wrdreg $0xFFFFFFFF  }
0xb3: {  	[dreg:$0x0] =	wrdreg $0x60  }
0xb4: {  	[dreg:$0x2] =	wrdreg s24  }
0xb5: {  	[dreg:$0x3] =	wrdreg s16  }
0xb6: {  	[dreg:$0x4] =	wrdreg s17  }
0xb7: {  	[dreg:$0x5] =	wrdreg $0x9  }
0xb8: {  	_ =	task.clear_ibuf [dreg:s8], $0x6FFFF;
	_ =	strace $0x90000046  }
0xb9: {  	s29 =	simm.s32 $0x9;
	_ =	strace $0x80000048  }
0xba: {  	_ =	swait.ge [sflag:s29], $0x1  }
0xbb: {  	[sflag:s29] =	ssyncadd.s32 $0xFFFFFFFF  }
0xbc: {  	_ =	strace $0x90000048  }
0xbd: {  	_ =	sfence  }
0xbe: {  	s30 =	sld [smem:$0x0];
	_ =	sdelay $0x2  }
0xbf: {  	s31 =	sshll.u32 s1, $0xD;
	s1 =	sshrl.u32 s1, $0x2  }
0xc0: {  	s3 =	sand.u32 $0x4000, s31;
	s1 =	sadd.s32 s1, s30  }
0xc1: {  	s0 =	sor.u32 s3, s0;
	s1 =	sshll.u32 s1, $0x11  }
0xc2: {  	s0 =	sor.u32 s1, s0  }
0xc3: {  	s0 =	sadd.s32 $0x8F2B, s0  }
0xc4: {  	[sflag:s0] =	ssyncadd.remote.s32 $0x1  }
0xc5: {  	_ =	sfence.sel $0xFFFF  }
0xc6: {  	[dreg:$0x0] =	wrdreg $0xFFFFFFFF;
	(pc) =	sbr.abs _section_cstart, $3  }
0xc7: {  	[dreg:$0x1] =	wrdreg $0xFFFFFFFF  }
0xc8: {  	_ =	task.clear_ibuf [dreg:s8], $0x2FFFF;
	_ =	strace $0x9FFFFFFF  }
0xc9: {  	(tm) =	ssettm $0x7FFFFFFF  }
tec
execute0_lowered:
.L_overlay_start_1:
0x0: {  	(tag) =	ssettag $0x1  }
0x1: {  	v0 =	vimm.s32 $0x1380;
	s3 =	rddreg [dreg:$0x0]  }
0x2: {  	vm14 =	vcmask $0x300;
	vm13 =	vcmask $0x704;
	vm12 =	vcmask $0xB08;
	s5 =	rddreg [dreg:$0x1]  }
0x3: {  	vm11 =	vcmask $0xF0C;
	vm10 =	vcmask $0x1310;
	vm9 =	vcmask $0x1714;
	s6 =	rddreg [dreg:$0x2]  }
0x4: {  	vm8 =	vcmask $0x1B18;
	vm7 =	vcmask $0x1F1C;
	vm6 =	vcmask $0x2320;
	s0 =	rddreg [dreg:$0x3];
	s2 =	simm.s32 $0x0  }
0x5: {  	vm5 =	vcmask $0x2724;
	vm4 =	vcmask $0x2B28;
	vm3 =	vcmask $0x2F2C;
	s9 =	simm.s32 $0x200;
	[smem:$0x7FF] =	sst s2  }
0x6: {  	vm0 =	vcmask $0x3330;
	vm1 =	vcmask $0x3734;
	s16 =	simm.s32 $0x600;
	vm2 =	vcmask $0x3B38;
	_ =	strace $0x80000047;
	[dreg:$0x4] =	wrdreg s9  }
0x7: {  	s17 =	simm.s32 $0xA00;
	v1 =	vimm.s32 $0x3380;
	v2 =	vimm.s32 $0x5380;
	v3 =	vimm.s32 $0x7380;
	[dreg:$0x5] =	wrdreg s16  }
0x8: {  	s18 =	simm.s32 $0xE00;
	v0 =	vsel vm14, $0x0, v0;
	v1 =	vsel vm14, $0x2000, v1;
	v2 =	vsel vm14, $0x4000, v2;
	[dreg:$0x6] =	wrdreg s17  }
0x9: {  	s19 =	simm.s32 $0x1200;
	v3 =	vsel vm14, $0x6000, v3;
	v0 =	vsel vm13, $0x80, v0;
	[dreg:$0x7] =	wrdreg s18;
	v1 =	vsel vm13, $0x2080, v1  }
0xa: {  	s20 =	simm.s32 $0x1600;
	[dreg:$0x8] =	wrdreg s19;
	v2 =	vsel vm13, $0x4080, v2;
	v3 =	vsel vm13, $0x6080, v3;
	v0 =	vsel vm12, $0x100, v0  }
0xb: {  	s21 =	simm.s32 $0x1A00;
	[dreg:$0x9] =	wrdreg s20;
	v1 =	vsel vm12, $0x2100, v1;
	v2 =	vsel vm12, $0x4100, v2;
	v3 =	vsel vm12, $0x6100, v3  }
0xc: {  	s4 =	srdreg.scid;
	s22 =	simm.s32 $0x1E00;
	[dreg:$0xa] =	wrdreg s21;
	v0 =	vsel vm11, $0x180, v0;
	v1 =	vsel vm11, $0x2180, v1;
	v2 =	vsel vm11, $0x4180, v2  }
0xd: {  	s1 =	stileid.u32;
	s23 =	simm.s32 $0x2200;
	[dreg:$0xb] =	wrdreg s22;
	v3 =	vsel vm11, $0x6180, v3;
	v0 =	vsel vm10, $0x200, v0;
	v1 =	vsel vm10, $0x2200, v1  }
0xe: {  	s25 =	simm.s32 $0x2600;
	s26 =	simm.s32 $0x2A00;
	[dreg:$0xc] =	wrdreg s23;
	v2 =	vsel vm10, $0x4200, v2;
	v3 =	vsel vm10, $0x6200, v3;
	v0 =	vsel vm9, $0x280, v0  }
0xf: {  	s28 =	simm.s32 $0x2E00;
	s29 =	simm.s32 $0x3200;
	[dreg:$0xd] =	wrdreg s25;
	v1 =	vsel vm9, $0x2280, v1;
	v2 =	vsel vm9, $0x4280, v2;
	v3 =	vsel vm9, $0x6280, v3  }
0x10: {  	s30 =	simm.s32 $0x3600;
	s31 =	simm.s32 $0x3A00;
	[dreg:$0xe] =	wrdreg s26;
	v0 =	vsel vm8, $0x300, v0;
	v1 =	vsel vm8, $0x2300, v1;
	v2 =	vsel vm8, $0x4300, v2  }
0x11: {  	s11 =	simm.s32 $0x3E00;
	s12 =	simm.s32 $0x4200;
	[dreg:$0xf] =	wrdreg s28;
	v3 =	vsel vm8, $0x6300, v3;
	v0 =	vsel vm7, $0x380, v0;
	v1 =	vsel vm7, $0x2380, v1  }
0x12: {  	s13 =	simm.s32 $0x1000;
	s14 =	simm.s32 $0x20000;
	[dreg:$0x10] =	wrdreg s29;
	v2 =	vsel vm7, $0x4380, v2;
	v3 =	vsel vm7, $0x6380, v3;
	v0 =	vsel vm6, $0x1000, v0  }
0x13: {  	s4 =	sand.u32 $0x1, s4;
	s7 =	sshll.u32 s1, $0x1;
	[dreg:$0x11] =	wrdreg s30;
	v1 =	vsel vm6, $0x3000, v1;
	v2 =	vsel vm6, $0x5000, v2;
	v3 =	vsel vm6, $0x7000, v3  }
0x14: {  	s15 =	simm.s32 $0x8200;
	s8 =	sor.u32 s4, s7;
	[dreg:$0x12] =	wrdreg s31;
	v0 =	vsel vm5, $0x1080, v0;
	v1 =	vsel vm5, $0x3080, v1;
	v2 =	vsel vm5, $0x5080, v2  }
0x15: {  	s4 =	ssub.s32 $0x2, s4;
	s9 =	simm.s32 $0x400;
	[dreg:$0x13] =	wrdreg s11;
	v3 =	vsel vm5, $0x7080, v3;
	v0 =	vsel vm4, $0x1100, v0;
	v1 =	vsel vm4, $0x3100, v1  }
0x16: {  	s11 =	simm.s32 $0x1;
	s7 =	sshll.u32 s8, $0x9;
	s8 =	sshll.u32 s8, $0x7;
	v2 =	vsel vm4, $0x5100, v2;
	v3 =	vsel vm4, $0x7100, v3;
	v0 =	vsel vm3, $0x1180, v0  }
0x17: {  	s16 =	simm.s32 $0x0;
	s10 =	sand.u32 $0x3000, s7;
	s8 =	sand.u32 $0x380, s8;
	v1 =	vsel vm3, $0x3180, v1;
	v2 =	vsel vm3, $0x5180, v2;
	v3 =	vsel vm3, $0x7180, v3  }
0x18: {  	s24 =	sshrl.u32 s4, $0x1;
	s5 =	sadd.s32 s5, s7;
	s8 =	sor.u32 s8, s10;
	v0 =	vsel vm0, $0x1200, v0;
	v1 =	vsel vm0, $0x3200, v1;
	v2 =	vsel vm0, $0x5200, v2  }
0x19: {  	s6 =	sadd.s32 s6, s7;
	s10 =	ssub.s32 s4, s24;
	s8 =	sshrl.u32 s8, $0x3;
	v3 =	vsel vm0, $0x7200, v3;
	v0 =	vsel vm1, $0x1280, v0;
	v1 =	vsel vm1, $0x3280, v1  }
0x1a: {  	s7 =	smax.u32 s10, $0x1;
	s10 =	simm.s32 $0x2;
	s8 =	sadd.s32 s8, s3;
	v2 =	vsel vm1, $0x5280, v2;
	v3 =	vsel vm1, $0x7280, v3;
	v0 =	vsel vm2, $0x1300, v0  }
0x1b: {  	s3 =	sadd.s32 $0x1000, s3;
	s4 =	sadd.s32 $0x800, s8;
	s8 =	simm.s32 $0x80;
	v1 =	vsel vm2, $0x3300, v1;
	v2 =	vsel vm2, $0x5300, v2;
	v3 =	vsel vm2, $0x7300, v3  }
.LBB2_1:
0x1c: {  	[tilespmem:s2], [sflag:$0x2] =	stream.strided.gather [hbm4b:s4+s8], $0x200, s9, s8, $0x38;
	[tilespmem:$0xC200] =	vst v63  }
0x1d: {  	_ =	swait.ge [sflag:s10], $0x200  }
0x1e: {  	[sflag:s10] =	ssyncset.done $0x0  }
0x1f: {  	s17 =	simm.s32 $0xF;
	s18 =	simm.s32 $0x0;
	[sflag:s10] =	ssyncadd.s32 $0xFFFFFE00  }
.LBB2_2:
0x20: {  	v4 =	vld [tilespmem:s18+$0x0];
	_ =	sdelay $0x4  }
0x21: {  	v5 =	vshrl.u32 v4, $0x3  }
0x22: {  	v5 =	vshll.u32 v5, $0x7  }
0x23: {  	(v2sf) =	vpush v5, $0x0;
	_ =	sdelay $0x1  }
0x24: {  	(v2sf) =	vpush v5, $0x1;
	_ =	sdelay $0x1  }
0x25: {  	(v2sf) =	vpush v5, $0x2;
	_ =	sdelay $0x2  }
0x26: {  	(v2sf) =	vpush v5, $0x3;
	_ =	sdelay $0x7  }
0x27: {  	s19 =	spop (v2sf);
	(v2sf) =	vpush v5, $0x4;
	_ =	sdelay $0x1  }
0x28: {  	s23 =	spop (v2sf);
	(v2sf) =	vpush v5, $0x5;
	_ =	sdelay $0x1  }
0x29: {  	s25 =	spop (v2sf);
	(v2sf) =	vpush v5, $0x6;
	_ =	sdelay $0x1  }
0x2a: {  	s19 =	sand.u32 $0x1FFFFF80, s19  }
0x2b: {  	s20 =	rddreg [dreg:$0x4];
	s19 =	sadd.s32 s3, s19;
	s28 =	spop (v2sf);
	(v2sf) =	vpush v5, $0x7  }
0x2c: {  	[tilespmem:s20], [sflag:$0x1] =	stream.linear.gather [hbm4b:s19+s2], $0x400, $0x38;
	[tilespmem:$0xC200] =	vst v63  }
0x2d: {  	s19 =	sand.u32 $0x1FFFFF80, s23  }
0x2e: {  	s24 =	rddreg [dreg:$0x5];
	s19 =	sadd.s32 s3, s19  }
0x2f: {  	[tilespmem:s24], [sflag:$0x1] =	stream.linear.gather [hbm4b:s19+s2], $0x400, $0x38;
	[tilespmem:$0xC200] =	vst v63  }
0x30: {  	s19 =	sand.u32 $0x1FFFFF80, s25  }
0x31: {  	s26 =	rddreg [dreg:$0x6];
	s19 =	sadd.s32 s3, s19  }
0x32: {  	[tilespmem:s26], [sflag:$0x1] =	stream.linear.gather [hbm4b:s19+s2], $0x400, $0x38;
	[tilespmem:$0xC200] =	vst v63  }
0x33: {  	s30 =	spop (v2sf);
	(v2sf) =	vpush v5, $0x8  }
0x34: {  	s19 =	sand.u32 $0x1FFFFF80, s28  }
0x35: {  	s29 =	rddreg [dreg:$0x7];
	s19 =	sadd.s32 s3, s19;
	s21 =	spop (v2sf);
	(v2sf) =	vpush v5, $0x9  }
0x36: {  	[tilespmem:s29], [sflag:$0x1] =	stream.linear.gather [hbm4b:s19+s2], $0x400, $0x38;
	[tilespmem:$0xC200] =	vst v63  }
0x37: {  	s19 =	sand.u32 $0x1FFFFF80, s30;
	s23 =	spop (v2sf);
	(v2sf) =	vpush v5, $0xA  }
0x38: {  	s31 =	rddreg [dreg:$0x8];
	s19 =	sadd.s32 s3, s19  }
0x39: {  	[tilespmem:s31], [sflag:$0x1] =	stream.linear.gather [hbm4b:s19+s2], $0x400, $0x38;
	[tilespmem:$0xC200] =	vst v63  }
0x3a: {  	s25 =	spop (v2sf);
	(v2sf) =	vpush v5, $0xB  }
0x3b: {  	s19 =	sand.u32 $0x1FFFFF80, s21  }
0x3c: {  	s22 =	rddreg [dreg:$0x9];
	s19 =	sadd.s32 s3, s19  }
0x3d: {  	[tilespmem:s22], [sflag:$0x1] =	stream.linear.gather [hbm4b:s19+s2], $0x400, $0x38;
	[tilespmem:$0xC200] =	vst v63  }
0x3e: {  	s19 =	sand.u32 $0x1FFFFF80, s23  }
0x3f: {  	s24 =	rddreg [dreg:$0xa];
	s19 =	sadd.s32 s3, s19  }
0x40: {  	[tilespmem:s24], [sflag:$0x1] =	stream.linear.gather [hbm4b:s19+s2], $0x400, $0x38;
	[tilespmem:$0xC200] =	vst v63  }
0x41: {  	s19 =	sand.u32 $0x1FFFFF80, s25  }
0x42: {  	s26 =	rddreg [dreg:$0xb];
	s19 =	sadd.s32 s3, s19;
	s28 =	spop (v2sf);
	(v2sf) =	vpush v5, $0xC  }
0x43: {  	[tilespmem:s26], [sflag:$0x1] =	stream.linear.gather [hbm4b:s19+s2], $0x400, $0x38;
	[tilespmem:$0xC200] =	vst v63  }
0x44: {  	s30 =	spop (v2sf);
	(v2sf) =	vpush v5, $0xD  }
0x45: {  	s19 =	sand.u32 $0x1FFFFF80, s28  }
0x46: {  	s29 =	rddreg [dreg:$0xc];
	s19 =	sadd.s32 s3, s19;
	s21 =	spop (v2sf)  }
0x47: {  	(v2sf) =	vpush v5, $0xE;
	[tilespmem:s29], [sflag:$0x1] =	stream.linear.gather [hbm4b:s19+s2], $0x400, $0x38;
	[tilespmem:$0xC200] =	vst v63  }
0x48: {  	s19 =	sand.u32 $0x1FFFFF80, s30  }
0x49: {  	s31 =	rddreg [dreg:$0xd];
	s23 =	spop (v2sf);
	s19 =	sadd.s32 s3, s19  }
0x4a: {  	(v2sf) =	vpush v5, $0xF;
	[tilespmem:s31], [sflag:$0x1] =	stream.linear.gather [hbm4b:s19+s2], $0x400, $0x38;
	[tilespmem:$0xC200] =	vst v63  }
0x4b: {  	s19 =	sand.u32 $0x1FFFFF80, s21  }
0x4c: {  	s22 =	rddreg [dreg:$0xe];
	s19 =	sadd.s32 s3, s19  }
0x4d: {  	[tilespmem:s22], [sflag:$0x1] =	stream.linear.gather [hbm4b:s19+s2], $0x400, $0x38;
	[tilespmem:$0xC200] =	vst v63  }
0x4e: {  	s19 =	sand.u32 $0x1FFFFF80, s23  }
0x4f: {  	s24 =	rddreg [dreg:$0xf];
	s19 =	sadd.s32 s3, s19  }
0x50: {  	[tilespmem:s24], [sflag:$0x1] =	stream.linear.gather [hbm4b:s19+s2], $0x400, $0x38;
	[tilespmem:$0xC200] =	vst v63  }
0x51: {  	s25 =	spop (v2sf)  }
0x52: {  	s19 =	sand.u32 $0x1FFFFF80, s25  }
0x53: {  	s26 =	rddreg [dreg:$0x10];
	s28 =	spop (v2sf);
	s19 =	sadd.s32 s3, s19  }
0x54: {  	[tilespmem:s26], [sflag:$0x1] =	stream.linear.gather [hbm4b:s19+s2], $0x400, $0x38;
	[tilespmem:$0xC200] =	vst v63  }
0x55: {  	s19 =	sand.u32 $0x1FFFFF80, s28  }
0x56: {  	s29 =	rddreg [dreg:$0x11];
	s30 =	spop (v2sf);
	s19 =	sadd.s32 s3, s19  }
0x57: {  	[tilespmem:s29], [sflag:$0x1] =	stream.linear.gather [hbm4b:s19+s2], $0x400, $0x38;
	[tilespmem:$0xC200] =	vst v63  }
0x58: {  	s19 =	sand.u32 $0x1FFFFF80, s30  }
0x59: {  	s31 =	rddreg [dreg:$0x12];
	s20 =	spop (v2sf);
	s19 =	sadd.s32 s3, s19  }
0x5a: {  	[tilespmem:s31], [sflag:$0x1] =	stream.linear.gather [hbm4b:s19+s2], $0x400, $0x38;
	[tilespmem:$0xC200] =	vst v63  }
0x5b: {  	s19 =	sand.u32 $0x1FFFFF80, s20  }
0x5c: {  	s21 =	rddreg [dreg:$0x13];
	s19 =	sadd.s32 s3, s19  }
0x5d: {  	[tilespmem:s21], [sflag:$0x1] =	stream.linear.gather [hbm4b:s19+s2], $0x400, $0x38;
	[tilespmem:$0xC200] =	vst v63  }
0x5e: {  	_ =	swait.ge [sflag:s11], $0x400  }
0x5f: {  	[sflag:s11] =	ssyncset.done $0x0  }
0x60: {  	[sflag:s11] =	ssyncadd.s32 $0xFFFFFC00  }
0x61: {  	_ =	swait.ge [sflag:s11], $0x400  }
0x62: {  	[sflag:s11] =	ssyncset.done $0x0  }
0x63: {  	[sflag:s11] =	ssyncadd.s32 $0xFFFFFC00  }
0x64: {  	_ =	swait.ge [sflag:s11], $0x400  }
0x65: {  	[sflag:s11] =	ssyncset.done $0x0  }
0x66: {  	[sflag:s11] =	ssyncadd.s32 $0xFFFFFC00  }
0x67: {  	_ =	swait.ge [sflag:s11], $0x400  }
0x68: {  	[sflag:s11] =	ssyncset.done $0x0  }
0x69: {  	[sflag:s11] =	ssyncadd.s32 $0xFFFFFC00  }
0x6a: {  	_ =	swait.ge [sflag:s11], $0x400  }
0x6b: {  	[sflag:s11] =	ssyncset.done $0x0  }
0x6c: {  	[sflag:s11] =	ssyncadd.s32 $0xFFFFFC00  }
0x6d: {  	_ =	swait.ge [sflag:s11], $0x400  }
0x6e: {  	[sflag:s11] =	ssyncset.done $0x0  }
0x6f: {  	[sflag:s11] =	ssyncadd.s32 $0xFFFFFC00  }
0x70: {  	_ =	swait.ge [sflag:s11], $0x400  }
0x71: {  	[sflag:s11] =	ssyncset.done $0x0  }
0x72: {  	[sflag:s11] =	ssyncadd.s32 $0xFFFFFC00  }
0x73: {  	_ =	swait.ge [sflag:s11], $0x400  }
0x74: {  	[sflag:s11] =	ssyncset.done $0x0  }
0x75: {  	[sflag:s11] =	ssyncadd.s32 $0xFFFFFC00  }
0x76: {  	_ =	swait.ge [sflag:s11], $0x400  }
0x77: {  	[sflag:s11] =	ssyncset.done $0x0  }
0x78: {  	[sflag:s11] =	ssyncadd.s32 $0xFFFFFC00  }
0x79: {  	_ =	swait.ge [sflag:s11], $0x400  }
0x7a: {  	[sflag:s11] =	ssyncset.done $0x0  }
0x7b: {  	[sflag:s11] =	ssyncadd.s32 $0xFFFFFC00  }
0x7c: {  	_ =	swait.ge [sflag:s11], $0x400  }
0x7d: {  	[sflag:s11] =	ssyncset.done $0x0  }
0x7e: {  	[sflag:s11] =	ssyncadd.s32 $0xFFFFFC00  }
0x7f: {  	_ =	swait.ge [sflag:s11], $0x400  }
0x80: {  	[sflag:s11] =	ssyncset.done $0x0  }
0x81: {  	[sflag:s11] =	ssyncadd.s32 $0xFFFFFC00  }
0x82: {  	_ =	swait.ge [sflag:s11], $0x400  }
0x83: {  	[sflag:s11] =	ssyncset.done $0x0  }
0x84: {  	[sflag:s11] =	ssyncadd.s32 $0xFFFFFC00  }
0x85: {  	_ =	swait.ge [sflag:s11], $0x400  }
0x86: {  	[sflag:s11] =	ssyncset.done $0x0  }
0x87: {  	[sflag:s11] =	ssyncadd.s32 $0xFFFFFC00  }
0x88: {  	_ =	swait.ge [sflag:s11], $0x400  }
0x89: {  	[sflag:s11] =	ssyncset.done $0x0  }
0x8a: {  	[sflag:s11] =	ssyncadd.s32 $0xFFFFFC00  }
0x8b: {  	v4 =	vshll.u32 v4, $0x7;
	_ =	swait.ge [sflag:s11], $0x400  }
0x8c: {  	(v2sf) =	vpush v4, $0x0;
	_ =	sdelay $0xb  }
0x8d: {  	s22 =	sadd.s32 $0xFFFFFFF1, s17  }
0x8e: {  	v5 =	vmov s22  }
0x8f: {  	v6 =	vshll.u32 v5, $0x3  }
0x90: {  	v5 =	vand.u32 $0x70, v5;
	v6 =	vand.u32 $0xC00, v6;
	[sflag:s11] =	ssyncset.done $0x0;
	s23 =	spop (v2sf)  }
0x91: {  	v5 =	vor.u32 v5, v6;
	[sflag:s11] =	ssyncadd.s32 $0xFFFFFC00;
	s19 =	sand.u32 $0x380, s23  }
0x92: {  	v7 =	vor.u32 v0, v5;
	v56 =	vld [tilespmem:s19+$0x200];
	_ =	sdelay $0x4  }
0x93: {  	[tilespmem:v7+s12+$0x0] =	vst.idx.msk $0xffff, v56  }
0x94: {  	v57 =	vor.u32 v1, v5;
	v6 =	vld [tilespmem:s19+$0x210]  }
0x95: {  	(v2sf) =	vpush v4, $0x1;
	_ =	sdelay $0x3  }
0x96: {  	[tilespmem:v57+s12+$0x0] =	vst.idx.msk $0xffff, v6  }
0x97: {  	v58 =	vor.u32 v2, v5;
	v6 =	vld [tilespmem:s19+$0x220];
	_ =	sdelay $0x4  }
0x98: {  	[tilespmem:v58+s12+$0x0] =	vst.idx.msk $0xffff, v6  }
0x99: {  	v5 =	vor.u32 v3, v5;
	v6 =	vld [tilespmem:s19+$0x230]  }
0x9a: {  	s24 =	sadd.s32 $0xFFFFFFF2, s17  }
0x9b: {  	v59 =	vmov s24  }
0x9c: {  	v8 =	vshll.u32 v59, $0x3  }
0x9d: {  	v8 =	vand.u32 $0xC00, v8;
	v7 =	vand.u32 $0x71, v59;
	s25 =	spop (v2sf)  }
0x9e: {  	s19 =	sand.u32 $0x380, s25;
	[tilespmem:v5+s12+$0x0] =	vst.idx.msk $0xffff, v6;
	v5 =	vor.u32 v7, v8  }
0x9f: {  	v6 =	vld [tilespmem:s19+$0x600];
	v7 =	vor.u32 v0, v5;
	_ =	sdelay $0x4  }
0xa0: {  	[tilespmem:v7+s12+$0x0] =	vst.idx.msk $0xffff, v6  }
0xa1: {  	v60 =	vor.u32 v1, v5;
	v6 =	vld [tilespmem:s19+$0x610]  }
0xa2: {  	(v2sf) =	vpush v4, $0x2;
	_ =	sdelay $0x3  }
0xa3: {  	[tilespmem:v60+s12+$0x0] =	vst.idx.msk $0xffff, v6  }
0xa4: {  	v61 =	vor.u32 v2, v5;
	v6 =	vld [tilespmem:s19+$0x620];
	_ =	sdelay $0x4  }
0xa5: {  	[tilespmem:v61+s12+$0x0] =	vst.idx.msk $0xffff, v6  }
0xa6: {  	v5 =	vor.u32 v3, v5;
	v6 =	vld [tilespmem:s19+$0x630]  }
0xa7: {  	s26 =	sadd.s32 $0xFFFFFFF3, s17  }
0xa8: {  	v62 =	vmov s26  }
0xa9: {  	v63 =	vshll.u32 v62, $0x3  }
0xaa: {  	v8 =	vand.u32 $0xC00, v63;
	s28 =	spop (v2sf);
	v7 =	vand.u32 $0x72, v62  }
0xab: {  	s19 =	sand.u32 $0x380, s28;
	[tilespmem:v5+s12+$0x0] =	vst.idx.msk $0xffff, v6;
	v5 =	vor.u32 v7, v8  }
0xac: {  	v6 =	vld [tilespmem:s19+$0xA00];
	v7 =	vor.u32 v0, v5;
	_ =	sdelay $0x4  }
0xad: {  	[tilespmem:v7+s12+$0x0] =	vst.idx.msk $0xffff, v6  }
0xae: {  	v10 =	vor.u32 v1, v5;
	v6 =	vld [tilespmem:s19+$0xA10]  }
0xaf: {  	(v2sf) =	vpush v4, $0x3;
	_ =	sdelay $0x3  }
0xb0: {  	[tilespmem:v10+s12+$0x0] =	vst.idx.msk $0xffff, v6  }
0xb1: {  	v11 =	vor.u32 v2, v5;
	v6 =	vld [tilespmem:s19+$0xA20];
	_ =	sdelay $0x4  }
0xb2: {  	[tilespmem:v11+s12+$0x0] =	vst.idx.msk $0xffff, v6  }
0xb3: {  	v5 =	vor.u32 v3, v5;
	v6 =	vld [tilespmem:s19+$0xA30]  }
0xb4: {  	s29 =	sadd.s32 $0xFFFFFFF4, s17  }
0xb5: {  	v12 =	vmov s29  }
0xb6: {  	v13 =	vshll.u32 v12, $0x3  }
0xb7: {  	s30 =	spop (v2sf);
	v8 =	vand.u32 $0xC00, v13;
	v7 =	vand.u32 $0x73, v12  }
0xb8: {  	s19 =	sand.u32 $0x380, s30;
	[tilespmem:v5+s12+$0x0] =	vst.idx.msk $0xffff, v6;
	v5 =	vor.u32 v7, v8  }
0xb9: {  	v6 =	vld [tilespmem:s19+$0xE00];
	v7 =	vor.u32 v0, v5;
	_ =	sdelay $0x4  }
0xba: {  	[tilespmem:v7+s12+$0x0] =	vst.idx.msk $0xffff, v6  }
0xbb: {  	v14 =	vor.u32 v1, v5;
	v6 =	vld [tilespmem:s19+$0xE10]  }
0xbc: {  	(v2sf) =	vpush v4, $0x4;
	_ =	sdelay $0x3  }
0xbd: {  	[tilespmem:v14+s12+$0x0] =	vst.idx.msk $0xffff, v6  }
0xbe: {  	v15 =	vor.u32 v2, v5;
	v6 =	vld [tilespmem:s19+$0xE20];
	_ =	sdelay $0x4  }
0xbf: {  	[tilespmem:v15+s12+$0x0] =	vst.idx.msk $0xffff, v6  }
0xc0: {  	v5 =	vor.u32 v3, v5;
	v6 =	vld [tilespmem:s19+$0xE30]  }
0xc1: {  	s31 =	sadd.s32 $0xFFFFFFF5, s17  }
0xc2: {  	v16 =	vmov s31  }
0xc3: {  	v17 =	vshll.u32 v16, $0x3  }
0xc4: {  	s20 =	spop (v2sf);
	v8 =	vand.u32 $0xC00, v17;
	v7 =	vand.u32 $0x74, v16  }
0xc5: {  	s19 =	sand.u32 $0x380, s20;
	[tilespmem:v5+s12+$0x0] =	vst.idx.msk $0xffff, v6;
	v5 =	vor.u32 v7, v8  }
0xc6: {  	v6 =	vld [tilespmem:s19+$0x1200];
	v7 =	vor.u32 v0, v5;
	_ =	sdelay $0x4  }
0xc7: {  	[tilespmem:v7+s12+$0x0] =	vst.idx.msk $0xffff, v6  }
0xc8: {  	v18 =	vor.u32 v1, v5;
	v6 =	vld [tilespmem:s19+$0x1210]  }
0xc9: {  	(v2sf) =	vpush v4, $0x5;
	_ =	sdelay $0x3  }
0xca: {  	[tilespmem:v18+s12+$0x0] =	vst.idx.msk $0xffff, v6  }
0xcb: {  	v19 =	vor.u32 v2, v5;
	v6 =	vld [tilespmem:s19+$0x1220];
	_ =	sdelay $0x4  }
0xcc: {  	[tilespmem:v19+s12+$0x0] =	vst.idx.msk $0xffff, v6  }
0xcd: {  	v5 =	vor.u32 v3, v5;
	v6 =	vld [tilespmem:s19+$0x1230]  }
0xce: {  	s21 =	sadd.s32 $0xFFFFFFF6, s17  }
0xcf: {  	v20 =	vmov s21  }
0xd0: {  	v21 =	vshll.u32 v20, $0x3  }
0xd1: {  	s22 =	spop (v2sf);
	v8 =	vand.u32 $0xC00, v21;
	v7 =	vand.u32 $0x75, v20  }
0xd2: {  	s19 =	sand.u32 $0x380, s22;
	[tilespmem:v5+s12+$0x0] =	vst.idx.msk $0xffff, v6;
	v5 =	vor.u32 v7, v8  }
0xd3: {  	v6 =	vld [tilespmem:s19+$0x1600];
	v7 =	vor.u32 v0, v5;
	_ =	sdelay $0x4  }
0xd4: {  	[tilespmem:v7+s12+$0x0] =	vst.idx.msk $0xffff, v6  }
0xd5: {  	v22 =	vor.u32 v1, v5;
	v6 =	vld [tilespmem:s19+$0x1610]  }
0xd6: {  	(v2sf) =	vpush v4, $0x6;
	_ =	sdelay $0x3  }
0xd7: {  	[tilespmem:v22+s12+$0x0] =	vst.idx.msk $0xffff, v6  }
0xd8: {  	v23 =	vor.u32 v2, v5;
	v6 =	vld [tilespmem:s19+$0x1620];
	_ =	sdelay $0x4  }
0xd9: {  	[tilespmem:v23+s12+$0x0] =	vst.idx.msk $0xffff, v6  }
0xda: {  	v5 =	vor.u32 v3, v5;
	v6 =	vld [tilespmem:s19+$0x1630]  }
0xdb: {  	s23 =	sadd.s32 $0xFFFFFFF7, s17  }
0xdc: {  	v24 =	vmov s23  }
0xdd: {  	v25 =	vshll.u32 v24, $0x3  }
0xde: {  	s24 =	spop (v2sf);
	v8 =	vand.u32 $0xC00, v25;
	v7 =	vand.u32 $0x76, v24  }
0xdf: {  	s19 =	sand.u32 $0x380, s24;
	[tilespmem:v5+s12+$0x0] =	vst.idx.msk $0xffff, v6;
	v5 =	vor.u32 v7, v8  }
0xe0: {  	v6 =	vld [tilespmem:s19+$0x1A00];
	v7 =	vor.u32 v0, v5;
	_ =	sdelay $0x4  }
0xe1: {  	[tilespmem:v7+s12+$0x0] =	vst.idx.msk $0xffff, v6  }
0xe2: {  	v26 =	vor.u32 v1, v5;
	v6 =	vld [tilespmem:s19+$0x1A10]  }
0xe3: {  	(v2sf) =	vpush v4, $0x7;
	_ =	sdelay $0x3  }
0xe4: {  	[tilespmem:v26+s12+$0x0] =	vst.idx.msk $0xffff, v6  }
0xe5: {  	v27 =	vor.u32 v2, v5;
	v6 =	vld [tilespmem:s19+$0x1A20];
	_ =	sdelay $0x4  }
0xe6: {  	[tilespmem:v27+s12+$0x0] =	vst.idx.msk $0xffff, v6  }
0xe7: {  	v5 =	vor.u32 v3, v5;
	v6 =	vld [tilespmem:s19+$0x1A30]  }
0xe8: {  	s25 =	sadd.s32 $0xFFFFFFF8, s17  }
0xe9: {  	v28 =	vmov s25  }
0xea: {  	v29 =	vshll.u32 v28, $0x3  }
0xeb: {  	s26 =	spop (v2sf);
	v8 =	vand.u32 $0xC00, v29;
	v7 =	vand.u32 $0x77, v28  }
0xec: {  	s19 =	sand.u32 $0x380, s26;
	[tilespmem:v5+s12+$0x0] =	vst.idx.msk $0xffff, v6;
	v5 =	vor.u32 v7, v8  }
0xed: {  	v6 =	vld [tilespmem:s19+$0x1E00];
	v7 =	vor.u32 v0, v5;
	_ =	sdelay $0x4  }
0xee: {  	[tilespmem:v7+s12+$0x0] =	vst.idx.msk $0xffff, v6  }
0xef: {  	v30 =	vor.u32 v1, v5;
	v6 =	vld [tilespmem:s19+$0x1E10]  }
0xf0: {  	(v2sf) =	vpush v4, $0x8;
	_ =	sdelay $0x3  }
0xf1: {  	[tilespmem:v30+s12+$0x0] =	vst.idx.msk $0xffff, v6  }
0xf2: {  	v31 =	vor.u32 v2, v5;
	v6 =	vld [tilespmem:s19+$0x1E20];
	_ =	sdelay $0x4  }
0xf3: {  	[tilespmem:v31+s12+$0x0] =	vst.idx.msk $0xffff, v6  }
0xf4: {  	v5 =	vor.u32 v3, v5;
	v6 =	vld [tilespmem:s19+$0x1E30]  }
0xf5: {  	s28 =	sadd.s32 $0xFFFFFFF9, s17  }
0xf6: {  	v32 =	vmov s28  }
0xf7: {  	v33 =	vshll.u32 v32, $0x3  }
0xf8: {  	s29 =	spop (v2sf);
	v8 =	vand.u32 $0xC00, v33;
	v7 =	vand.u32 $0x78, v32  }
0xf9: {  	s19 =	sand.u32 $0x380, s29;
	[tilespmem:v5+s12+$0x0] =	vst.idx.msk $0xffff, v6;
	v5 =	vor.u32 v7, v8  }
0xfa: {  	v6 =	vld [tilespmem:s19+$0x2200];
	v7 =	vor.u32 v0, v5;
	_ =	sdelay $0x4  }
0xfb: {  	[tilespmem:v7+s12+$0x0] =	vst.idx.msk $0xffff, v6  }
0xfc: {  	v34 =	vor.u32 v1, v5;
	v6 =	vld [tilespmem:s19+$0x2210]  }
0xfd: {  	(v2sf) =	vpush v4, $0x9;
	_ =	sdelay $0x3  }
0xfe: {  	[tilespmem:v34+s12+$0x0] =	vst.idx.msk $0xffff, v6  }
0xff: {  	v35 =	vor.u32 v2, v5;
	v6 =	vld [tilespmem:s19+$0x2220];
	_ =	sdelay $0x4  }
0x100: {  	[tilespmem:v35+s12+$0x0] =	vst.idx.msk $0xffff, v6  }
0x101: {  	v5 =	vor.u32 v3, v5;
	v6 =	vld [tilespmem:s19+$0x2230]  }
0x102: {  	s30 =	sadd.s32 $0xFFFFFFFA, s17  }
0x103: {  	v36 =	vmov s30  }
0x104: {  	v37 =	vshll.u32 v36, $0x3  }
0x105: {  	s31 =	spop (v2sf);
	v8 =	vand.u32 $0xC00, v37;
	v7 =	vand.u32 $0x79, v36  }
0x106: {  	s19 =	sand.u32 $0x380, s31;
	[tilespmem:v5+s12+$0x0] =	vst.idx.msk $0xffff, v6;
	v5 =	vor.u32 v7, v8  }
0x107: {  	v6 =	vld [tilespmem:s19+$0x2600];
	v7 =	vor.u32 v0, v5;
	_ =	sdelay $0x4  }
0x108: {  	[tilespmem:v7+s12+$0x0] =	vst.idx.msk $0xffff, v6  }
0x109: {  	v38 =	vor.u32 v1, v5;
	v6 =	vld [tilespmem:s19+$0x2610]  }
0x10a: {  	(v2sf) =	vpush v4, $0xA;
	_ =	sdelay $0x3  }
0x10b: {  	[tilespmem:v38+s12+$0x0] =	vst.idx.msk $0xffff, v6  }
0x10c: {  	v39 =	vor.u32 v2, v5;
	v6 =	vld [tilespmem:s19+$0x2620];
	_ =	sdelay $0x4  }
0x10d: {  	[tilespmem:v39+s12+$0x0] =	vst.idx.msk $0xffff, v6  }
0x10e: {  	v5 =	vor.u32 v3, v5;
	v6 =	vld [tilespmem:s19+$0x2630]  }
0x10f: {  	s20 =	sadd.s32 $0xFFFFFFFB, s17  }
0x110: {  	v40 =	vmov s20  }
0x111: {  	v41 =	vshll.u32 v40, $0x3  }
0x112: {  	s21 =	spop (v2sf);
	v8 =	vand.u32 $0xC00, v41;
	v7 =	vand.u32 $0x7A, v40  }
0x113: {  	s19 =	sand.u32 $0x380, s21;
	[tilespmem:v5+s12+$0x0] =	vst.idx.msk $0xffff, v6;
	v5 =	vor.u32 v7, v8  }
0x114: {  	v6 =	vld [tilespmem:s19+$0x2A00];
	v7 =	vor.u32 v0, v5;
	_ =	sdelay $0x4  }
0x115: {  	[tilespmem:v7+s12+$0x0] =	vst.idx.msk $0xffff, v6  }
0x116: {  	v42 =	vor.u32 v1, v5;
	v6 =	vld [tilespmem:s19+$0x2A10]  }
0x117: {  	(v2sf) =	vpush v4, $0xB;
	_ =	sdelay $0x3  }
0x118: {  	[tilespmem:v42+s12+$0x0] =	vst.idx.msk $0xffff, v6  }
0x119: {  	v43 =	vor.u32 v2, v5;
	v6 =	vld [tilespmem:s19+$0x2A20];
	_ =	sdelay $0x4  }
0x11a: {  	[tilespmem:v43+s12+$0x0] =	vst.idx.msk $0xffff, v6  }
0x11b: {  	v5 =	vor.u32 v3, v5;
	v6 =	vld [tilespmem:s19+$0x2A30]  }
0x11c: {  	s22 =	sadd.s32 $0xFFFFFFFC, s17  }
0x11d: {  	v44 =	vmov s22  }
0x11e: {  	v45 =	vshll.u32 v44, $0x3  }
0x11f: {  	s23 =	spop (v2sf);
	v8 =	vand.u32 $0xC00, v45;
	v7 =	vand.u32 $0x7B, v44  }
0x120: {  	s19 =	sand.u32 $0x380, s23;
	[tilespmem:v5+s12+$0x0] =	vst.idx.msk $0xffff, v6;
	v5 =	vor.u32 v7, v8  }
0x121: {  	v6 =	vld [tilespmem:s19+$0x2E00];
	v7 =	vor.u32 v0, v5;
	_ =	sdelay $0x4  }
0x122: {  	[tilespmem:v7+s12+$0x0] =	vst.idx.msk $0xffff, v6  }
0x123: {  	v46 =	vor.u32 v1, v5;
	v6 =	vld [tilespmem:s19+$0x2E10]  }
0x124: {  	(v2sf) =	vpush v4, $0xC;
	_ =	sdelay $0x3  }
0x125: {  	[tilespmem:v46+s12+$0x0] =	vst.idx.msk $0xffff, v6  }
0x126: {  	v47 =	vor.u32 v2, v5;
	v6 =	vld [tilespmem:s19+$0x2E20];
	_ =	sdelay $0x4  }
0x127: {  	[tilespmem:v47+s12+$0x0] =	vst.idx.msk $0xffff, v6  }
0x128: {  	v5 =	vor.u32 v3, v5;
	v6 =	vld [tilespmem:s19+$0x2E30]  }
0x129: {  	s24 =	sadd.s32 $0xFFFFFFFD, s17  }
0x12a: {  	v48 =	vmov s24  }
0x12b: {  	v49 =	vshll.u32 v48, $0x3  }
0x12c: {  	s25 =	spop (v2sf);
	v8 =	vand.u32 $0xC00, v49;
	v7 =	vand.u32 $0x7C, v48  }
0x12d: {  	s19 =	sand.u32 $0x380, s25;
	[tilespmem:v5+s12+$0x0] =	vst.idx.msk $0xffff, v6;
	v5 =	vor.u32 v7, v8  }
0x12e: {  	v6 =	vld [tilespmem:s19+$0x3200];
	v7 =	vor.u32 v0, v5;
	_ =	sdelay $0x4  }
0x12f: {  	[tilespmem:v7+s12+$0x0] =	vst.idx.msk $0xffff, v6  }
0x130: {  	v50 =	vor.u32 v1, v5;
	v6 =	vld [tilespmem:s19+$0x3210]  }
0x131: {  	(v2sf) =	vpush v4, $0xD;
	_ =	sdelay $0x3  }
0x132: {  	[tilespmem:v50+s12+$0x0] =	vst.idx.msk $0xffff, v6  }
0x133: {  	v51 =	vor.u32 v2, v5;
	v6 =	vld [tilespmem:s19+$0x3220];
	_ =	sdelay $0x4  }
0x134: {  	[tilespmem:v51+s12+$0x0] =	vst.idx.msk $0xffff, v6  }
0x135: {  	v5 =	vor.u32 v3, v5;
	v6 =	vld [tilespmem:s19+$0x3230]  }
0x136: {  	s26 =	sadd.s32 $0xFFFFFFFE, s17  }
0x137: {  	v52 =	vmov s26  }
0x138: {  	v53 =	vshll.u32 v52, $0x3  }
0x139: {  	s28 =	spop (v2sf);
	v8 =	vand.u32 $0xC00, v53;
	v7 =	vand.u32 $0x7D, v52  }
0x13a: {  	s19 =	sand.u32 $0x380, s28;
	[tilespmem:v5+s12+$0x0] =	vst.idx.msk $0xffff, v6;
	v5 =	vor.u32 v7, v8  }
0x13b: {  	v6 =	vld [tilespmem:s19+$0x3600];
	v7 =	vor.u32 v0, v5;
	_ =	sdelay $0x4  }
0x13c: {  	[tilespmem:v7+s12+$0x0] =	vst.idx.msk $0xffff, v6  }
0x13d: {  	v54 =	vor.u32 v1, v5;
	v6 =	vld [tilespmem:s19+$0x3610]  }
0x13e: {  	(v2sf) =	vpush v4, $0xE;
	_ =	sdelay $0x3  }
0x13f: {  	[tilespmem:v54+s12+$0x0] =	vst.idx.msk $0xffff, v6  }
0x140: {  	v55 =	vor.u32 v2, v5;
	v6 =	vld [tilespmem:s19+$0x3620];
	_ =	sdelay $0x4  }
0x141: {  	[tilespmem:v55+s12+$0x0] =	vst.idx.msk $0xffff, v6  }
0x142: {  	v5 =	vor.u32 v3, v5;
	v6 =	vld [tilespmem:s19+$0x3630]  }
0x143: {  	s29 =	sadd.s32 $0xFFFFFFFF, s17  }
0x144: {  	v56 =	vmov s29  }
0x145: {  	v57 =	vshll.u32 v56, $0x3  }
0x146: {  	s30 =	spop (v2sf);
	v8 =	vand.u32 $0xC00, v57;
	v7 =	vand.u32 $0x7E, v56  }
0x147: {  	s19 =	sand.u32 $0x380, s30;
	[tilespmem:v5+s12+$0x0] =	vst.idx.msk $0xffff, v6;
	v5 =	vor.u32 v7, v8  }
0x148: {  	v6 =	vld [tilespmem:s19+$0x3A00];
	v7 =	vor.u32 v0, v5;
	_ =	sdelay $0x4  }
0x149: {  	[tilespmem:v7+s12+$0x0] =	vst.idx.msk $0xffff, v6  }
0x14a: {  	v58 =	vor.u32 v1, v5;
	v6 =	vld [tilespmem:s19+$0x3A10]  }
0x14b: {  	(v2sf) =	vpush v4, $0xF;
	_ =	sdelay $0x3  }
0x14c: {  	[tilespmem:v58+s12+$0x0] =	vst.idx.msk $0xffff, v6  }
0x14d: {  	v59 =	vor.u32 v2, v5;
	v4 =	vld [tilespmem:s19+$0x3A20];
	_ =	sdelay $0x4  }
0x14e: {  	[tilespmem:v59+s12+$0x0] =	vst.idx.msk $0xffff, v4  }
0x14f: {  	v5 =	vor.u32 v3, v5;
	v4 =	vld [tilespmem:s19+$0x3A30];
	_ =	sdelay $0x1  }
0x150: {  	v60 =	vmov s17  }
0x151: {  	v61 =	vshll.u32 v60, $0x3  }
0x152: {  	s31 =	spop (v2sf);
	v7 =	vand.u32 $0xC00, v61;
	v6 =	vand.u32 $0x7F, v60  }
0x153: {  	s19 =	sand.u32 $0x380, s31;
	[tilespmem:v5+s12+$0x0] =	vst.idx.msk $0xffff, v4;
	v4 =	vor.u32 v6, v7  }
0x154: {  	v5 =	vld [tilespmem:s19+$0x3E00];
	v6 =	vor.u32 v0, v4;
	_ =	sdelay $0x4  }
0x155: {  	[tilespmem:v6+s12+$0x0] =	vst.idx.msk $0xffff, v5  }
0x156: {  	v62 =	vor.u32 v1, v4;
	v5 =	vld [tilespmem:s19+$0x3E10];
	_ =	sdelay $0x4  }
0x157: {  	[tilespmem:v62+s12+$0x0] =	vst.idx.msk $0xffff, v5  }
0x158: {  	v63 =	vor.u32 v2, v4;
	v5 =	vld [tilespmem:s19+$0x3E20];
	_ =	sdelay $0x4  }
0x159: {  	[tilespmem:v63+s12+$0x0] =	vst.idx.msk $0xffff, v5  }
0x15a: {  	p0 =	sne.s32 s17, $0x1FF;
	v4 =	vor.u32 v3, v4;
	v5 =	vld [tilespmem:s19+$0x3E30]  }
.Ltmp0:
0x15b: {  	_ = 	snop;
	(pc) =	sbr.rel @p0 .LBB2_2-.Ltmp0, $2  }
0x15c: {  	_ =	sdelay $0x2  }
0x15d: {  	s18 =	sadd.s32 $0x10, s18;
	s17 =	sadd.s32 $0x10, s17;
	[tilespmem:v4+s12+$0x0] =	vst.idx.msk $0xffff, v5  }
0x15e: {  	[hbm4b:s5+s13] =	stream.strided.scatter [tilespmem:s12], [sflag:$0x2], $0x4000, s14, s13, $0x38;
	[tilespmem:$0xC200] =	vst v63  }
0x15f: {  	s16 =	sadd.s32 $0x1, s16;
	_ =	swait.ge [sflag:s10], $0x4000  }
0x160: {  	p0 =	sne.s32 s16, s7;
	[sflag:s10] =	ssyncset.done $0x0  }
.Ltmp1:
0x161: {  	[sflag:s10] =	ssyncadd.s32 $0xFFFFC000;
	(pc) =	sbr.rel @p0 .LBB2_1-.Ltmp1, $4  }
0x162: {  	[hbm4b:s6+s13] =	stream.strided.scatter [tilespmem:s15], [sflag:$0x2], $0x4000, s14, s13, $0x38;
	[tilespmem:$0xC200] =	vst v63  }
0x163: {  	_ =	swait.ge [sflag:s10], $0x4000  }
0x164: {  	[sflag:s10] =	ssyncset.done $0x0  }
0x165: {  	[sflag:s10] =	ssyncadd.s32 $0xFFFFC000  }
0x166: {  	_ =	sfence.sel $0x180000  }
0x167: {  	[bflag:$0x0] =	sbarrier.arrive $0xFFFF  }
0x168: {  	p0 =	sne.s32 s1, $0x0;
	_ =	strace $0x90000047  }
0x169: {  	s0 =	sadd.s32 @!p0 $0x100000, s0;
	[bflag:$0x2] =	sbarrier.arrive $0xFFFF  }
0x16a: {  	[sflag:s0] =	ssyncadd.tile.s32 @!p0 $0x1;
	_ =	shalt  }
.Lfunc_end2:
_tile_overlayer_lowered:
.L_overlay_start_2:
0x16b: {  	(tag) =	ssettag $0x2  }
0x16c: {  	s0 =	rddreg [dreg:$0x0];
	s2 =	stileid.u32  }
0x16d: {  	s1 =	rddreg [dreg:$0x1];
	p0 =	sne.s32 s2, $0x0  }
0x16e: {  	s3 =	rddreg [dreg:$0x2];
	[bflag:$0x3] =	sbarrier.arrive $0xFFFF;
	s2 =	simm.s32 @!p0 $0x1C02  }
0x16f: {  	[timem:s3], [sflag:s2] =	dma.local @!p0 [hbm:s0], s1  }
0x170: {  	s0 =	simm.s32 @!p0 $0x2  }
0x171: {  	_ =	swait.ge @!p0 [sflag:s0], s1  }
0x172: {  	s1 =	ssub.s32 @!p0 $0x0, s1;
	[sflag:s0] =	ssyncset.done @!p0 $0x0  }
0x173: {  	[sflag:s0] =	ssyncadd.s32 @!p0 s1  }
0x174: {  	[bflag:$0x3] =	sbarrier.arrive $0xFFFF  }
0x175: {  	_ =	shalt  }

</sc_bundles>
